<compile_context>
chip_gen: v7x
topology: tpu7x:2x2x1
jax: 0.10.2.dev20260603
libtpu: 0.0.44.dev20260713+nightly
codegen_flags: <defaults>
</compile_context>

<pallas_src>
import jax
import jax.numpy as jnp
from jax.experimental import pallas as pl
from jax.experimental.pallas import tpu as pltpu
from jax.experimental.pallas import tpu_sc as plsc

E = 64
H = 768
I = 1536
T = 2048
TOP_K = 2
TK = T * TOP_K

TB = 512
NCH = T // TB
M = 144
NPT = TK // M + E
PAD = NPT * M

NW = 32
TPW = T // NW
CCH = 32


def _route_pos_body(x_ref, gw_ref, rw_ref, ps_ref, eof_ref, used_ref,
                    run_ref, rs_ref, se_s, rw_s):
    g = pl.program_id(0)
    ids = jax.lax.broadcasted_iota(jnp.int32, (TB, E), 1)

    @pl.when(g == 0)
    def _():
        run_ref[...] = jnp.zeros((1, E), jnp.float32)

    @pl.when(g < NCH)
    def _():
        xb = x_ref[...]
        gw = gw_ref[...]
        logits = jax.lax.dot_general(xb, gw, (((1,), (1,)), ((), ())),
                                     preferred_element_type=jnp.float32)
        m = jnp.max(logits, axis=1, keepdims=True)
        ex = jnp.exp(logits - m)
        probs = ex / jnp.sum(ex, axis=1, keepdims=True)
        i1 = jnp.argmax(probs, axis=1).astype(jnp.int32)[:, None]
        w1v = jnp.max(probs, axis=1, keepdims=True)
        probs2 = jnp.where(ids == i1, -jnp.inf, probs)
        i2 = jnp.argmax(probs2, axis=1).astype(jnp.int32)[:, None]
        w2v = jnp.max(probs2, axis=1, keepdims=True)
        seb = jnp.concatenate([i1, i2], axis=1)
        se_s[g] = seb
        rw_s[g] = jnp.concatenate([w1v, w2v], axis=1)
        ocnt = ((ids == i1).astype(jnp.float32)
                + (ids == i2).astype(jnp.float32))
        run_ref[...] += jnp.sum(ocnt, axis=0, keepdims=True)

    @pl.when(g == NCH)
    def _():
        totals = run_ref[...]
        tiles = jnp.floor((totals + (M - 1)) * (1.0 / M))
        ei = jax.lax.broadcasted_iota(jnp.int32, (E, E), 0)
        ej = jax.lax.broadcasted_iota(jnp.int32, (E, E), 1)
        lstrict_e = (ei < ej).astype(jnp.float32)
        ts_tiles = jax.lax.dot_general(
            tiles, lstrict_e, (((1,), (0,)), ((), ())),
            preferred_element_type=jnp.float32)
        rs_ref[...] = ts_tiles * float(M)
        run_ref[...] = jnp.zeros((1, E), jnp.float32)
        cum_incl = ts_tiles + tiles
        gi = jax.lax.broadcasted_iota(jnp.int32, (NPT, E), 0).astype(jnp.float32)
        eof = jnp.sum((gi >= cum_incl).astype(jnp.float32), axis=1,
                      keepdims=True)
        eof_ref[...] = jnp.minimum(eof, float(E - 1)).astype(jnp.int32)
        used_ref[...] = jnp.sum(tiles, axis=1, keepdims=True).astype(jnp.int32)

    @pl.when(g >= NCH)
    def _():
        seb = se_s[g - NCH]
        oh0 = (ids == seb[:, 0:1]).astype(jnp.float32)
        oh1 = (ids == seb[:, 1:2]).astype(jnp.float32)
        ocnt = oh0 + oh1
        ri = jax.lax.broadcasted_iota(jnp.int32, (TB, TB), 0)
        rj = jax.lax.broadcasted_iota(jnp.int32, (TB, TB), 1)
        lstrict = (rj < ri).astype(jnp.float32)
        crow = jax.lax.dot_general(
            lstrict, ocnt, (((1,), (0,)), ((), ())),
            preferred_element_type=jnp.float32)
        base = rs_ref[...] + run_ref[...] + crow
        p0 = jnp.sum(oh0 * base, axis=1, keepdims=True)
        p1 = jnp.sum(oh1 * (base + oh0), axis=1, keepdims=True)
        ps_ref[...] = jnp.concatenate([p0, p1], axis=1).astype(jnp.int32)
        rw_ref[...] = rw_s[g - NCH]
        run_ref[...] += jnp.sum(ocnt, axis=0, keepdims=True)


def _make_sc_dispatch():
    mesh = plsc.VectorSubcoreMesh(core_axis_name="c", subcore_axis_name="s")

    def body(x_hbm, ps0_hbm, ps1_hbm, xs_hbm, idx_v, rows_v, sem):
        wid = jax.lax.axis_index("s") * 2 + jax.lax.axis_index("c")
        for c in range(TPW // CCH):
            tbase = wid * TPW + c * CCH
            pltpu.sync_copy(x_hbm.at[pl.ds(tbase, CCH)], rows_v)
            pltpu.sync_copy(ps0_hbm.at[wid, c], idx_v)
            pltpu.async_copy(rows_v, xs_hbm.at[idx_v], sem).wait()
            pltpu.sync_copy(ps1_hbm.at[wid, c], idx_v)
            pltpu.async_copy(rows_v, xs_hbm.at[idx_v], sem).wait()

    return pl.kernel(
        body, mesh=mesh,
        out_type=jax.ShapeDtypeStruct((PAD, H), jnp.float32),
        scratch_types=[
            pltpu.VMEM((CCH,), jnp.int32),
            pltpu.VMEM((CCH, H), jnp.float32),
            pltpu.SemaphoreType.DMA,
        ],
    )


def _make_sc_combine():
    mesh = plsc.VectorSubcoreMesh(core_axis_name="c", subcore_axis_name="s")
    per_w = TK // NW
    n_ch = per_w // (2 * CCH)

    def body(ps_hbm, ys_hbm, ysg_hbm, idx_v, rows_v, sem):
        wid = jax.lax.axis_index("s") * 2 + jax.lax.axis_index("c")
        base = wid * per_w
        for c in range(n_ch):
            off = base + c * (2 * CCH)
            pltpu.sync_copy(ps_hbm.at[pl.ds(off, 2 * CCH)], idx_v)
            pltpu.async_copy(ys_hbm.at[idx_v], rows_v, sem).wait()
            pltpu.sync_copy(rows_v, ysg_hbm.at[pl.ds(off, 2 * CCH)])

    return pl.kernel(
        body, mesh=mesh,
        out_type=jax.ShapeDtypeStruct((TK, H), jnp.float32),
        scratch_types=[
            pltpu.VMEM((2 * CCH,), jnp.int32),
            pltpu.VMEM((2 * CCH, H), jnp.float32),
            pltpu.SemaphoreType.DMA,
        ],
    )


def _sc_dispatch(x, ps0, ps1):
    return _make_sc_dispatch()(x, ps0, ps1)


def _sc_combine(ps, ys):
    return _make_sc_combine()(ps, ys)


def _expert_body(e_of_ref, used_ref, xs_ref, w1_ref, w3_ref, w2_ref, ys_ref):
    @pl.when(pl.program_id(0) < used_ref[0])
    def _():
        xb = xs_ref[...].astype(jnp.bfloat16)
        w1b = w1_ref[0].astype(jnp.bfloat16)
        w3b = w3_ref[0].astype(jnp.bfloat16)
        w2b = w2_ref[0].astype(jnp.bfloat16)

        a = jax.lax.dot_general(xb, w1b, (((1,), (1,)), ((), ())),
                                preferred_element_type=jnp.float32)
        b = jax.lax.dot_general(xb, w3b, (((1,), (1,)), ((), ())),
                                preferred_element_type=jnp.float32)
        h = (a * jax.nn.sigmoid(a) * b).astype(jnp.bfloat16)
        ys_ref[...] = jax.lax.dot_general(h, w2b, (((1,), (1,)), ((), ())),
                                          preferred_element_type=jnp.float32)


def _combine_body(ysg_ref, rw_ref, out_ref):
    rwb = rw_ref[...]
    out_ref[...] = (rwb[:, 0:1] * ysg_ref[:, 0, :]
                    + rwb[:, 1:2] * ysg_ref[:, 1, :])


@jax.jit
def kernel(x, gate_w, w1, w2, w3):
    rw, ps, e_of, used = pl.pallas_call(
        _route_pos_body,
        grid=(2 * NCH,),
        in_specs=[
            pl.BlockSpec((TB, H),
                         lambda g: (jnp.where(g < NCH, g, g - NCH), 0)),
            pl.BlockSpec((E, H), lambda g: (0, 0)),
        ],
        out_specs=[
            pl.BlockSpec((TB, TOP_K),
                         lambda g: (jnp.where(g < NCH, 0, g - NCH), 0)),
            pl.BlockSpec((TB, TOP_K),
                         lambda g: (jnp.where(g < NCH, 0, g - NCH), 0)),
            pl.BlockSpec((NPT, 1), lambda g: (0, 0)),
            pl.BlockSpec((1, 1), lambda g: (0, 0)),
        ],
        out_shape=[
            jax.ShapeDtypeStruct((T, TOP_K), jnp.float32),
            jax.ShapeDtypeStruct((T, TOP_K), jnp.int32),
            jax.ShapeDtypeStruct((NPT, 1), jnp.int32),
            jax.ShapeDtypeStruct((1, 1), jnp.int32),
        ],
        scratch_shapes=[
            pltpu.VMEM((1, E), jnp.float32),
            pltpu.VMEM((1, E), jnp.float32),
            pltpu.VMEM((NCH, TB, TOP_K), jnp.int32),
            pltpu.VMEM((NCH, TB, TOP_K), jnp.float32),
        ],
    )(x, gate_w)
    e_of = e_of.reshape(NPT)
    used = used.reshape(1)

    ps0 = ps[:, 0].reshape(NW, TPW // CCH, CCH)
    ps1 = ps[:, 1].reshape(NW, TPW // CCH, CCH)

    xs = _sc_dispatch(x, ps0, ps1)

    ys = pl.pallas_call(
        _expert_body,
        grid_spec=pltpu.PrefetchScalarGridSpec(
            num_scalar_prefetch=2,
            grid=(NPT,),
            in_specs=[
                pl.BlockSpec((M, H), lambda g, eo, u: (g, 0)),
                pl.BlockSpec((1, I, H), lambda g, eo, u: (eo[g], 0, 0)),
                pl.BlockSpec((1, I, H), lambda g, eo, u: (eo[g], 0, 0)),
                pl.BlockSpec((1, H, I), lambda g, eo, u: (eo[g], 0, 0)),
            ],
            out_specs=pl.BlockSpec((M, H), lambda g, eo, u: (g, 0)),
        ),
        out_shape=jax.ShapeDtypeStruct((PAD, H), jnp.float32),
    )(e_of, used, xs, w1, w3, w2)

    ysg = _sc_combine(ps.reshape(TK), ys).reshape(T, TOP_K, H)

    out = pl.pallas_call(
        _combine_body,
        grid=(NCH,),
        in_specs=[
            pl.BlockSpec((TB, TOP_K, H), lambda t: (t, 0, 0)),
            pl.BlockSpec((TB, TOP_K), lambda t: (t, 0)),
        ],
        out_specs=pl.BlockSpec((TB, H), lambda t: (t, 0)),
        out_shape=jax.ShapeDtypeStruct((T, H), jnp.float32),
    )(ysg, rw)
    return out

# --- scband reference (transcript-rebuilt; emitter-appended) ---
"""Pipeline reference for scband-simple-mo-efor-export-61031485276534 (READ-ONLY COPY).

The authoritative reference and input builder live on the scoring server;
editing this copy changes nothing except your own understanding.
"""

import jax, jax.numpy as jnp
import numpy as np

E = 64
H = 768
I = 1536
T = 2048
TOP_K = 2


def setup_inputs(seed: int = 0) -> dict:
    key = jax.random.key(seed)
    ks = jax.random.split(key, 5)
    x = jax.random.normal(ks[0], (T, H), dtype=jnp.float32)
    gate_w = jax.random.normal(ks[1], (E, H), dtype=jnp.float32) * 0.02
    w1 = jax.random.normal(ks[2], (E, I, H), dtype=jnp.float32) * 0.02
    w2 = jax.random.normal(ks[3], (E, H, I), dtype=jnp.float32) * 0.02
    w3 = jax.random.normal(ks[4], (E, I, H), dtype=jnp.float32) * 0.02
    return {"x": x, "gate_w": gate_w, "w1": w1, "w2": w2, "w3": w3}


def reference(x, gate_w, w1, w2, w3):
    # router: logits -> softmax (fp32) -> top-2
    router_logits = x @ gate_w.T
    routing_probs = jax.nn.softmax(router_logits.astype(jnp.float32), axis=1)
    routing_weights, selected_experts = jax.lax.top_k(routing_probs, TOP_K)
    routing_weights = routing_weights.astype(x.dtype)

    # torch_moe: per-token gather tokens per expert, SwiGLU expert MLP, weighted scatter-add combine
    num_experts = gate_w.shape[0]
    expert_ids = jnp.arange(num_experts, dtype=selected_experts.dtype)

    def body(out, carry):
        e, w1e, w2e, w3e = carry
        h = jax.nn.silu(x @ w1e.T) * (x @ w3e.T)
        y = h @ w2e.T
        for k in range(TOP_K):
            m = selected_experts[:, k] == e
            w = jnp.where(m, routing_weights[:, k], jnp.zeros((), dtype=routing_weights.dtype))
            out = out + w[:, None] * y
        return out, None

    out, _ = jax.lax.scan(body, jnp.zeros_like(x), (expert_ids, w1, w2, w3))
    return out

if __name__ == "__main__":
    import jax
    _d = setup_inputs()
    print(jax.jit(kernel)(*tuple(_d.values())))

</pallas_src>

<mosaic_0001>
#map = affine_map<(d0, d1) -> (0, 0)>
#map1 = affine_map<(d0, d1) -> (0, 0, 0)>
module attributes {stable_mosaic.version = 14 : i64} {
  func.func @body(%arg0: i32, %arg1: i32, %arg2: memref<2048x768xf32, #tpu.memory_space<hbm>>, %arg3: memref<32x2x32xi32, #tpu.memory_space<hbm>>, %arg4: memref<32x2x32xi32, #tpu.memory_space<hbm>>, %arg5: memref<13248x768xf32, #tpu.memory_space<hbm>>, %arg6: memref<32xi32, #tpu.memory_space<vmem>>, %arg7: memref<32x768xf32, #tpu.memory_space<vmem>>, %arg8: memref<!tpu.dma_semaphore, #tpu.memory_space<semaphore_mem>>) attributes {dimension_semantics = [#tpu.dimension_semantics<core_parallel>, #tpu.dimension_semantics<subcore_parallel>], iteration_bounds = array<i64: 2, 16>, scalar_prefetch = 0 : i64, scratch_operands = 3 : i64, tpu.core_type = #tpu.core_type<sc_vector_subcore>, window_params = [{transform_indices = #map}, {transform_indices = #map1}, {transform_indices = #map1}, {transform_indices = #map}]} {
    %mul3A = arith.constant 2 : i32
    %mul3A_0 = arith.muli %arg1, %mul3A : i32
    %add3A = arith.addi %mul3A_0, %arg0 : i32
    %mul3A_1 = arith.constant 64 : i32
    %mul3A_2 = arith.muli %add3A, %mul3A_1 : i32
    %add3A_3 = arith.constant 0 : i32
    %add3A_4 = arith.addi %mul3A_2, %add3A_3 : i32
    "tpu.region"() ({
      %run_scoped3A_34 = tpu.sem_alloc : memref<!tpu.dma_semaphore, #tpu.memory_space<semaphore_mem>>
      %dma_start3A_35 = arith.constant 0 : i32
      %dma_start3A_36 = tpu.memref_slice %arg2[%add3A_4, %dma_start3A_35] : memref<2048x768xf32, #tpu.memory_space<hbm>> -> memref<32x768xf32, #tpu.memory_space<hbm>>
      %dma_start3A_37 = arith.constant 0 : i32
      %dma_start3A_38 = tpu.memref_slice %arg2[%add3A_4, %dma_start3A_37] : memref<2048x768xf32, #tpu.memory_space<hbm>> -> memref<32x768xf32, #tpu.memory_space<hbm>>
      tpu.enqueue_dma source(%dma_start3A_38 : memref<32x768xf32, #tpu.memory_space<hbm>>) target(%arg7 : memref<32x768xf32, #tpu.memory_space<vmem>>) target_semaphore(%run_scoped3A_34 : memref<!tpu.dma_semaphore, #tpu.memory_space<semaphore_mem>>)
      %dma_wait3A_39 = arith.constant 0 : i32
      %dma_wait3A_40 = tpu.memref_slice %arg2[%add3A_4, %dma_wait3A_39] : memref<2048x768xf32, #tpu.memory_space<hbm>> -> memref<32x768xf32, #tpu.memory_space<hbm>>
      %dma_wait3A_41 = arith.constant 0 : i32
      %dma_wait3A_42 = tpu.memref_slice %arg2[%add3A_4, %dma_wait3A_41] : memref<2048x768xf32, #tpu.memory_space<hbm>> -> memref<32x768xf32, #tpu.memory_space<hbm>>
      tpu.wait_dma2 semaphore(%run_scoped3A_34 : memref<!tpu.dma_semaphore, #tpu.memory_space<semaphore_mem>>) src(%dma_wait3A_42 : memref<32x768xf32, #tpu.memory_space<hbm>>) dst(%arg7 : memref<32x768xf32, #tpu.memory_space<vmem>>)
      tpu.yield
    }) : () -> ()
    %run_scoped3A = arith.constant 0 : i32
    "tpu.region"() ({
      %run_scoped3A_34 = tpu.sem_alloc : memref<!tpu.dma_semaphore, #tpu.memory_space<semaphore_mem>>
      %dma_start3A_35 = arith.constant 0 : i32
      %dma_start3A_36 = tpu.memref_slice %arg3[%add3A, %run_scoped3A, %dma_start3A_35] : memref<32x2x32xi32, #tpu.memory_space<hbm>> -> memref<1x1x32xi32, #tpu.memory_space<hbm>>
      %dma_start3A_37 = tpu.memref_squeeze %dma_start3A_36 : memref<1x1x32xi32, #tpu.memory_space<hbm>> -> memref<32xi32, #tpu.memory_space<hbm>>
      %dma_start3A_38 = arith.constant 0 : i32
      %dma_start3A_39 = tpu.memref_slice %arg3[%add3A, %run_scoped3A, %dma_start3A_38] : memref<32x2x32xi32, #tpu.memory_space<hbm>> -> memref<1x1x32xi32, #tpu.memory_space<hbm>>
      %dma_start3A_40 = tpu.memref_squeeze %dma_start3A_39 : memref<1x1x32xi32, #tpu.memory_space<hbm>> -> memref<32xi32, #tpu.memory_space<hbm>>
      tpu.enqueue_dma source(%dma_start3A_40 : memref<32xi32, #tpu.memory_space<hbm>>) target(%arg6 : memref<32xi32, #tpu.memory_space<vmem>>) target_semaphore(%run_scoped3A_34 : memref<!tpu.dma_semaphore, #tpu.memory_space<semaphore_mem>>)
      %dma_wait3A_41 = arith.constant 0 : i32
      %dma_wait3A_42 = tpu.memref_slice %arg3[%add3A, %run_scoped3A, %dma_wait3A_41] : memref<32x2x32xi32, #tpu.memory_space<hbm>> -> memref<1x1x32xi32, #tpu.memory_space<hbm>>
      %dma_wait3A_43 = tpu.memref_squeeze %dma_wait3A_42 : memref<1x1x32xi32, #tpu.memory_space<hbm>> -> memref<32xi32, #tpu.memory_space<hbm>>
      %dma_wait3A_44 = arith.constant 0 : i32
      %dma_wait3A_45 = tpu.memref_slice %arg3[%add3A, %run_scoped3A, %dma_wait3A_44] : memref<32x2x32xi32, #tpu.memory_space<hbm>> -> memref<1x1x32xi32, #tpu.memory_space<hbm>>
      %dma_wait3A_46 = tpu.memref_squeeze %dma_wait3A_45 : memref<1x1x32xi32, #tpu.memory_space<hbm>> -> memref<32xi32, #tpu.memory_space<hbm>>
      tpu.wait_dma2 semaphore(%run_scoped3A_34 : memref<!tpu.dma_semaphore, #tpu.memory_space<semaphore_mem>>) src(%dma_wait3A_46 : memref<32xi32, #tpu.memory_space<hbm>>) dst(%arg6 : memref<32xi32, #tpu.memory_space<vmem>>)
      tpu.yield
    }) : () -> ()
    %dma_start3A = arith.constant 0 : i32
    %dma_start3A_5 = arith.constant 0 : i32
    %dma_start3A_6 = tpu.memref_slice %arg5[%dma_start3A, %dma_start3A_5] : memref<13248x768xf32, #tpu.memory_space<hbm>> -> memref<13248x768xf32, #tpu.memory_space<hbm>>
    tpu.enqueue_indirect_dma source(%arg7 : memref<32x768xf32, #tpu.memory_space<vmem>>) target(%dma_start3A_6 : memref<13248x768xf32, #tpu.memory_space<hbm>>) offsets(%arg6 : memref<32xi32, #tpu.memory_space<vmem>>) semaphore(%arg8 : memref<!tpu.dma_semaphore, #tpu.memory_space<semaphore_mem>>)
    %dma_wait3A = arith.constant 0 : i32
    %dma_wait3A_7 = arith.constant 0 : i32
    %dma_wait3A_8 = tpu.memref_slice %arg5[%dma_wait3A, %dma_wait3A_7] : memref<13248x768xf32, #tpu.memory_space<hbm>> -> memref<13248x768xf32, #tpu.memory_space<hbm>>
    tpu.wait_indirect_dma semaphore(%arg8 : memref<!tpu.dma_semaphore, #tpu.memory_space<semaphore_mem>>) src(%arg7 : memref<32x768xf32, #tpu.memory_space<vmem>>) dst(%dma_wait3A_8 : memref<13248x768xf32, #tpu.memory_space<hbm>>)
    %run_scoped3A_9 = arith.constant 0 : i32
    "tpu.region"() ({
      %run_scoped3A_34 = tpu.sem_alloc : memref<!tpu.dma_semaphore, #tpu.memory_space<semaphore_mem>>
      %dma_start3A_35 = arith.constant 0 : i32
      %dma_start3A_36 = tpu.memref_slice %arg4[%add3A, %run_scoped3A_9, %dma_start3A_35] : memref<32x2x32xi32, #tpu.memory_space<hbm>> -> memref<1x1x32xi32, #tpu.memory_space<hbm>>
      %dma_start3A_37 = tpu.memref_squeeze %dma_start3A_36 : memref<1x1x32xi32, #tpu.memory_space<hbm>> -> memref<32xi32, #tpu.memory_space<hbm>>
      %dma_start3A_38 = arith.constant 0 : i32
      %dma_start3A_39 = tpu.memref_slice %arg4[%add3A, %run_scoped3A_9, %dma_start3A_38] : memref<32x2x32xi32, #tpu.memory_space<hbm>> -> memref<1x1x32xi32, #tpu.memory_space<hbm>>
      %dma_start3A_40 = tpu.memref_squeeze %dma_start3A_39 : memref<1x1x32xi32, #tpu.memory_space<hbm>> -> memref<32xi32, #tpu.memory_space<hbm>>
      tpu.enqueue_dma source(%dma_start3A_40 : memref<32xi32, #tpu.memory_space<hbm>>) target(%arg6 : memref<32xi32, #tpu.memory_space<vmem>>) target_semaphore(%run_scoped3A_34 : memref<!tpu.dma_semaphore, #tpu.memory_space<semaphore_mem>>)
      %dma_wait3A_41 = arith.constant 0 : i32
      %dma_wait3A_42 = tpu.memref_slice %arg4[%add3A, %run_scoped3A_9, %dma_wait3A_41] : memref<32x2x32xi32, #tpu.memory_space<hbm>> -> memref<1x1x32xi32, #tpu.memory_space<hbm>>
      %dma_wait3A_43 = tpu.memref_squeeze %dma_wait3A_42 : memref<1x1x32xi32, #tpu.memory_space<hbm>> -> memref<32xi32, #tpu.memory_space<hbm>>
      %dma_wait3A_44 = arith.constant 0 : i32
      %dma_wait3A_45 = tpu.memref_slice %arg4[%add3A, %run_scoped3A_9, %dma_wait3A_44] : memref<32x2x32xi32, #tpu.memory_space<hbm>> -> memref<1x1x32xi32, #tpu.memory_space<hbm>>
      %dma_wait3A_46 = tpu.memref_squeeze %dma_wait3A_45 : memref<1x1x32xi32, #tpu.memory_space<hbm>> -> memref<32xi32, #tpu.memory_space<hbm>>
      tpu.wait_dma2 semaphore(%run_scoped3A_34 : memref<!tpu.dma_semaphore, #tpu.memory_space<semaphore_mem>>) src(%dma_wait3A_46 : memref<32xi32, #tpu.memory_space<hbm>>) dst(%arg6 : memref<32xi32, #tpu.memory_space<vmem>>)
      tpu.yield
    }) : () -> ()
    %dma_start3A_10 = arith.constant 0 : i32
    %dma_start3A_11 = arith.constant 0 : i32
    %dma_start3A_12 = tpu.memref_slice %arg5[%dma_start3A_10, %dma_start3A_11] : memref<13248x768xf32, #tpu.memory_space<hbm>> -> memref<13248x768xf32, #tpu.memory_space<hbm>>
    tpu.enqueue_indirect_dma source(%arg7 : memref<32x768xf32, #tpu.memory_space<vmem>>) target(%dma_start3A_12 : memref<13248x768xf32, #tpu.memory_space<hbm>>) offsets(%arg6 : memref<32xi32, #tpu.memory_space<vmem>>) semaphore(%arg8 : memref<!tpu.dma_semaphore, #tpu.memory_space<semaphore_mem>>)
    %dma_wait3A_13 = arith.constant 0 : i32
    %dma_wait3A_14 = arith.constant 0 : i32
    %dma_wait3A_15 = tpu.memref_slice %arg5[%dma_wait3A_13, %dma_wait3A_14] : memref<13248x768xf32, #tpu.memory_space<hbm>> -> memref<13248x768xf32, #tpu.memory_space<hbm>>
    tpu.wait_indirect_dma semaphore(%arg8 : memref<!tpu.dma_semaphore, #tpu.memory_space<semaphore_mem>>) src(%arg7 : memref<32x768xf32, #tpu.memory_space<vmem>>) dst(%dma_wait3A_15 : memref<13248x768xf32, #tpu.memory_space<hbm>>)
    %mul3A_16 = arith.constant 64 : i32
    %mul3A_17 = arith.muli %add3A, %mul3A_16 : i32
    %add3A_18 = arith.constant 32 : i32
    %add3A_19 = arith.addi %mul3A_17, %add3A_18 : i32
    "tpu.region"() ({
      %run_scoped3A_34 = tpu.sem_alloc : memref<!tpu.dma_semaphore, #tpu.memory_space<semaphore_mem>>
      %dma_start3A_35 = arith.constant 0 : i32
      %dma_start3A_36 = tpu.memref_slice %arg2[%add3A_19, %dma_start3A_35] : memref<2048x768xf32, #tpu.memory_space<hbm>> -> memref<32x768xf32, #tpu.memory_space<hbm>>
      %dma_start3A_37 = arith.constant 0 : i32
      %dma_start3A_38 = tpu.memref_slice %arg2[%add3A_19, %dma_start3A_37] : memref<2048x768xf32, #tpu.memory_space<hbm>> -> memref<32x768xf32, #tpu.memory_space<hbm>>
      tpu.enqueue_dma source(%dma_start3A_38 : memref<32x768xf32, #tpu.memory_space<hbm>>) target(%arg7 : memref<32x768xf32, #tpu.memory_space<vmem>>) target_semaphore(%run_scoped3A_34 : memref<!tpu.dma_semaphore, #tpu.memory_space<semaphore_mem>>)
      %dma_wait3A_39 = arith.constant 0 : i32
      %dma_wait3A_40 = tpu.memref_slice %arg2[%add3A_19, %dma_wait3A_39] : memref<2048x768xf32, #tpu.memory_space<hbm>> -> memref<32x768xf32, #tpu.memory_space<hbm>>
      %dma_wait3A_41 = arith.constant 0 : i32
      %dma_wait3A_42 = tpu.memref_slice %arg2[%add3A_19, %dma_wait3A_41] : memref<2048x768xf32, #tpu.memory_space<hbm>> -> memref<32x768xf32, #tpu.memory_space<hbm>>
      tpu.wait_dma2 semaphore(%run_scoped3A_34 : memref<!tpu.dma_semaphore, #tpu.memory_space<semaphore_mem>>) src(%dma_wait3A_42 : memref<32x768xf32, #tpu.memory_space<hbm>>) dst(%arg7 : memref<32x768xf32, #tpu.memory_space<vmem>>)
      tpu.yield
    }) : () -> ()
    %run_scoped3A_20 = arith.constant 1 : i32
    "tpu.region"() ({
      %run_scoped3A_34 = tpu.sem_alloc : memref<!tpu.dma_semaphore, #tpu.memory_space<semaphore_mem>>
      %dma_start3A_35 = arith.constant 0 : i32
      %dma_start3A_36 = tpu.memref_slice %arg3[%add3A, %run_scoped3A_20, %dma_start3A_35] : memref<32x2x32xi32, #tpu.memory_space<hbm>> -> memref<1x1x32xi32, #tpu.memory_space<hbm>>
      %dma_start3A_37 = tpu.memref_squeeze %dma_start3A_36 : memref<1x1x32xi32, #tpu.memory_space<hbm>> -> memref<32xi32, #tpu.memory_space<hbm>>
      %dma_start3A_38 = arith.constant 0 : i32
      %dma_start3A_39 = tpu.memref_slice %arg3[%add3A, %run_scoped3A_20, %dma_start3A_38] : memref<32x2x32xi32, #tpu.memory_space<hbm>> -> memref<1x1x32xi32, #tpu.memory_space<hbm>>
      %dma_start3A_40 = tpu.memref_squeeze %dma_start3A_39 : memref<1x1x32xi32, #tpu.memory_space<hbm>> -> memref<32xi32, #tpu.memory_space<hbm>>
      tpu.enqueue_dma source(%dma_start3A_40 : memref<32xi32, #tpu.memory_space<hbm>>) target(%arg6 : memref<32xi32, #tpu.memory_space<vmem>>) target_semaphore(%run_scoped3A_34 : memref<!tpu.dma_semaphore, #tpu.memory_space<semaphore_mem>>)
      %dma_wait3A_41 = arith.constant 0 : i32
      %dma_wait3A_42 = tpu.memref_slice %arg3[%add3A, %run_scoped3A_20, %dma_wait3A_41] : memref<32x2x32xi32, #tpu.memory_space<hbm>> -> memref<1x1x32xi32, #tpu.memory_space<hbm>>
      %dma_wait3A_43 = tpu.memref_squeeze %dma_wait3A_42 : memref<1x1x32xi32, #tpu.memory_space<hbm>> -> memref<32xi32, #tpu.memory_space<hbm>>
      %dma_wait3A_44 = arith.constant 0 : i32
      %dma_wait3A_45 = tpu.memref_slice %arg3[%add3A, %run_scoped3A_20, %dma_wait3A_44] : memref<32x2x32xi32, #tpu.memory_space<hbm>> -> memref<1x1x32xi32, #tpu.memory_space<hbm>>
      %dma_wait3A_46 = tpu.memref_squeeze %dma_wait3A_45 : memref<1x1x32xi32, #tpu.memory_space<hbm>> -> memref<32xi32, #tpu.memory_space<hbm>>
      tpu.wait_dma2 semaphore(%run_scoped3A_34 : memref<!tpu.dma_semaphore, #tpu.memory_space<semaphore_mem>>) src(%dma_wait3A_46 : memref<32xi32, #tpu.memory_space<hbm>>) dst(%arg6 : memref<32xi32, #tpu.memory_space<vmem>>)
      tpu.yield
    }) : () -> ()
    %dma_start3A_21 = arith.constant 0 : i32
    %dma_start3A_22 = arith.constant 0 : i32
    %dma_start3A_23 = tpu.memref_slice %arg5[%dma_start3A_21, %dma_start3A_22] : memref<13248x768xf32, #tpu.memory_space<hbm>> -> memref<13248x768xf32, #tpu.memory_space<hbm>>
    tpu.enqueue_indirect_dma source(%arg7 : memref<32x768xf32, #tpu.memory_space<vmem>>) target(%dma_start3A_23 : memref<13248x768xf32, #tpu.memory_space<hbm>>) offsets(%arg6 : memref<32xi32, #tpu.memory_space<vmem>>) semaphore(%arg8 : memref<!tpu.dma_semaphore, #tpu.memory_space<semaphore_mem>>)
    %dma_wait3A_24 = arith.constant 0 : i32
    %dma_wait3A_25 = arith.constant 0 : i32
    %dma_wait3A_26 = tpu.memref_slice %arg5[%dma_wait3A_24, %dma_wait3A_25] : memref<13248x768xf32, #tpu.memory_space<hbm>> -> memref<13248x768xf32, #tpu.memory_space<hbm>>
    tpu.wait_indirect_dma semaphore(%arg8 : memref<!tpu.dma_semaphore, #tpu.memory_space<semaphore_mem>>) src(%arg7 : memref<32x768xf32, #tpu.memory_space<vmem>>) dst(%dma_wait3A_26 : memref<13248x768xf32, #tpu.memory_space<hbm>>)
    %run_scoped3A_27 = arith.constant 1 : i32
    "tpu.region"() ({
      %run_scoped3A_34 = tpu.sem_alloc : memref<!tpu.dma_semaphore, #tpu.memory_space<semaphore_mem>>
      %dma_start3A_35 = arith.constant 0 : i32
      %dma_start3A_36 = tpu.memref_slice %arg4[%add3A, %run_scoped3A_27, %dma_start3A_35] : memref<32x2x32xi32, #tpu.memory_space<hbm>> -> memref<1x1x32xi32, #tpu.memory_space<hbm>>
      %dma_start3A_37 = tpu.memref_squeeze %dma_start3A_36 : memref<1x1x32xi32, #tpu.memory_space<hbm>> -> memref<32xi32, #tpu.memory_space<hbm>>
      %dma_start3A_38 = arith.constant 0 : i32
      %dma_start3A_39 = tpu.memref_slice %arg4[%add3A, %run_scoped3A_27, %dma_start3A_38] : memref<32x2x32xi32, #tpu.memory_space<hbm>> -> memref<1x1x32xi32, #tpu.memory_space<hbm>>
      %dma_start3A_40 = tpu.memref_squeeze %dma_start3A_39 : memref<1x1x32xi32, #tpu.memory_space<hbm>> -> memref<32xi32, #tpu.memory_space<hbm>>
      tpu.enqueue_dma source(%dma_start3A_40 : memref<32xi32, #tpu.memory_space<hbm>>) target(%arg6 : memref<32xi32, #tpu.memory_space<vmem>>) target_semaphore(%run_scoped3A_34 : memref<!tpu.dma_semaphore, #tpu.memory_space<semaphore_mem>>)
      %dma_wait3A_41 = arith.constant 0 : i32
      %dma_wait3A_42 = tpu.memref_slice %arg4[%add3A, %run_scoped3A_27, %dma_wait3A_41] : memref<32x2x32xi32, #tpu.memory_space<hbm>> -> memref<1x1x32xi32, #tpu.memory_space<hbm>>
      %dma_wait3A_43 = tpu.memref_squeeze %dma_wait3A_42 : memref<1x1x32xi32, #tpu.memory_space<hbm>> -> memref<32xi32, #tpu.memory_space<hbm>>
      %dma_wait3A_44 = arith.constant 0 : i32
      %dma_wait3A_45 = tpu.memref_slice %arg4[%add3A, %run_scoped3A_27, %dma_wait3A_44] : memref<32x2x32xi32, #tpu.memory_space<hbm>> -> memref<1x1x32xi32, #tpu.memory_space<hbm>>
      %dma_wait3A_46 = tpu.memref_squeeze %dma_wait3A_45 : memref<1x1x32xi32, #tpu.memory_space<hbm>> -> memref<32xi32, #tpu.memory_space<hbm>>
      tpu.wait_dma2 semaphore(%run_scoped3A_34 : memref<!tpu.dma_semaphore, #tpu.memory_space<semaphore_mem>>) src(%dma_wait3A_46 : memref<32xi32, #tpu.memory_space<hbm>>) dst(%arg6 : memref<32xi32, #tpu.memory_space<vmem>>)
      tpu.yield
    }) : () -> ()
    %dma_start3A_28 = arith.constant 0 : i32
    %dma_start3A_29 = arith.constant 0 : i32
    %dma_start3A_30 = tpu.memref_slice %arg5[%dma_start3A_28, %dma_start3A_29] : memref<13248x768xf32, #tpu.memory_space<hbm>> -> memref<13248x768xf32, #tpu.memory_space<hbm>>
    tpu.enqueue_indirect_dma source(%arg7 : memref<32x768xf32, #tpu.memory_space<vmem>>) target(%dma_start3A_30 : memref<13248x768xf32, #tpu.memory_space<hbm>>) offsets(%arg6 : memref<32xi32, #tpu.memory_space<vmem>>) semaphore(%arg8 : memref<!tpu.dma_semaphore, #tpu.memory_space<semaphore_mem>>)
    %dma_wait3A_31 = arith.constant 0 : i32
    %dma_wait3A_32 = arith.constant 0 : i32
    %dma_wait3A_33 = tpu.memref_slice %arg5[%dma_wait3A_31, %dma_wait3A_32] : memref<13248x768xf32, #tpu.memory_space<hbm>> -> memref<13248x768xf32, #tpu.memory_space<hbm>>
    tpu.wait_indirect_dma semaphore(%arg8 : memref<!tpu.dma_semaphore, #tpu.memory_space<semaphore_mem>>) src(%arg7 : memref<32x768xf32, #tpu.memory_space<vmem>>) dst(%dma_wait3A_33 : memref<13248x768xf32, #tpu.memory_space<hbm>>)
    return
  }
}

#map = affine_map<(d0, d1) -> (0)>
#map1 = affine_map<(d0, d1) -> (0, 0)>
module attributes {stable_mosaic.version = 14 : i64} {
  func.func @body(%arg0: i32, %arg1: i32, %arg2: memref<4096xi32, #tpu.memory_space<hbm>>, %arg3: memref<13248x768xf32, #tpu.memory_space<hbm>>, %arg4: memref<4096x768xf32, #tpu.memory_space<hbm>>, %arg5: memref<64xi32, #tpu.memory_space<vmem>>, %arg6: memref<64x768xf32, #tpu.memory_space<vmem>>, %arg7: memref<!tpu.dma_semaphore, #tpu.memory_space<semaphore_mem>>) attributes {dimension_semantics = [#tpu.dimension_semantics<core_parallel>, #tpu.dimension_semantics<subcore_parallel>], iteration_bounds = array<i64: 2, 16>, scalar_prefetch = 0 : i64, scratch_operands = 3 : i64, tpu.core_type = #tpu.core_type<sc_vector_subcore>, window_params = [{transform_indices = #map}, {transform_indices = #map1}, {transform_indices = #map1}]} {
    %mul3A = arith.constant 2 : i32
    %mul3A_0 = arith.muli %arg1, %mul3A : i32
    %add3A = arith.addi %mul3A_0, %arg0 : i32
    %mul3A_1 = arith.constant 128 : i32
    %mul3A_2 = arith.muli %add3A, %mul3A_1 : i32
    %add3A_3 = arith.constant 0 : i32
    %add3A_4 = arith.addi %mul3A_2, %add3A_3 : i32
    "tpu.region"() ({
      %run_scoped3A = tpu.sem_alloc : memref<!tpu.dma_semaphore, #tpu.memory_space<semaphore_mem>>
      %dma_start3A_17 = tpu.memref_slice %arg2[%add3A_4] : memref<4096xi32, #tpu.memory_space<hbm>> -> memref<64xi32, #tpu.memory_space<hbm>>
      %dma_start3A_18 = tpu.memref_slice %arg2[%add3A_4] : memref<4096xi32, #tpu.memory_space<hbm>> -> memref<64xi32, #tpu.memory_space<hbm>>
      tpu.enqueue_dma source(%dma_start3A_18 : memref<64xi32, #tpu.memory_space<hbm>>) target(%arg5 : memref<64xi32, #tpu.memory_space<vmem>>) target_semaphore(%run_scoped3A : memref<!tpu.dma_semaphore, #tpu.memory_space<semaphore_mem>>)
      %dma_wait3A_19 = tpu.memref_slice %arg2[%add3A_4] : memref<4096xi32, #tpu.memory_space<hbm>> -> memref<64xi32, #tpu.memory_space<hbm>>
      %dma_wait3A_20 = tpu.memref_slice %arg2[%add3A_4] : memref<4096xi32, #tpu.memory_space<hbm>> -> memref<64xi32, #tpu.memory_space<hbm>>
      tpu.wait_dma2 semaphore(%run_scoped3A : memref<!tpu.dma_semaphore, #tpu.memory_space<semaphore_mem>>) src(%dma_wait3A_20 : memref<64xi32, #tpu.memory_space<hbm>>) dst(%arg5 : memref<64xi32, #tpu.memory_space<vmem>>)
      tpu.yield
    }) : () -> ()
    %dma_start3A = arith.constant 0 : i32
    %dma_start3A_5 = arith.constant 0 : i32
    %dma_start3A_6 = tpu.memref_slice %arg3[%dma_start3A, %dma_start3A_5] : memref<13248x768xf32, #tpu.memory_space<hbm>> -> memref<13248x768xf32, #tpu.memory_space<hbm>>
    tpu.enqueue_indirect_dma source(%dma_start3A_6 : memref<13248x768xf32, #tpu.memory_space<hbm>>) target(%arg6 : memref<64x768xf32, #tpu.memory_space<vmem>>) offsets(%arg5 : memref<64xi32, #tpu.memory_space<vmem>>) semaphore(%arg7 : memref<!tpu.dma_semaphore, #tpu.memory_space<semaphore_mem>>)
    %dma_wait3A = arith.constant 0 : i32
    %dma_wait3A_7 = arith.constant 0 : i32
    %dma_wait3A_8 = tpu.memref_slice %arg3[%dma_wait3A, %dma_wait3A_7] : memref<13248x768xf32, #tpu.memory_space<hbm>> -> memref<13248x768xf32, #tpu.memory_space<hbm>>
    tpu.wait_indirect_dma semaphore(%arg7 : memref<!tpu.dma_semaphore, #tpu.memory_space<semaphore_mem>>) src(%dma_wait3A_8 : memref<13248x768xf32, #tpu.memory_space<hbm>>) dst(%arg6 : memref<64x768xf32, #tpu.memory_space<vmem>>)
    "tpu.region"() ({
      %run_scoped3A = tpu.sem_alloc : memref<!tpu.dma_semaphore, #tpu.memory_space<semaphore_mem>>
      %dma_start3A_17 = arith.constant 0 : i32
      %dma_start3A_18 = tpu.memref_slice %arg4[%add3A_4, %dma_start3A_17] : memref<4096x768xf32, #tpu.memory_space<hbm>> -> memref<64x768xf32, #tpu.memory_space<hbm>>
      %dma_start3A_19 = arith.constant 0 : i32
      %dma_start3A_20 = tpu.memref_slice %arg4[%add3A_4, %dma_start3A_19] : memref<4096x768xf32, #tpu.memory_space<hbm>> -> memref<64x768xf32, #tpu.memory_space<hbm>>
      tpu.enqueue_dma source(%arg6 : memref<64x768xf32, #tpu.memory_space<vmem>>) target(%dma_start3A_20 : memref<64x768xf32, #tpu.memory_space<hbm>>) target_semaphore(%run_scoped3A : memref<!tpu.dma_semaphore, #tpu.memory_space<semaphore_mem>>)
      %dma_wait3A_21 = arith.constant 0 : i32
      %dma_wait3A_22 = tpu.memref_slice %arg4[%add3A_4, %dma_wait3A_21] : memref<4096x768xf32, #tpu.memory_space<hbm>> -> memref<64x768xf32, #tpu.memory_space<hbm>>
      %dma_wait3A_23 = arith.constant 0 : i32
      %dma_wait3A_24 = tpu.memref_slice %arg4[%add3A_4, %dma_wait3A_23] : memref<4096x768xf32, #tpu.memory_space<hbm>> -> memref<64x768xf32, #tpu.memory_space<hbm>>
      tpu.wait_dma2 semaphore(%run_scoped3A : memref<!tpu.dma_semaphore, #tpu.memory_space<semaphore_mem>>) src(%arg6 : memref<64x768xf32, #tpu.memory_space<vmem>>) dst(%dma_wait3A_24 : memref<64x768xf32, #tpu.memory_space<hbm>>)
      tpu.yield
    }) : () -> ()
    %add3A_9 = arith.constant 64 : i32
    %add3A_10 = arith.addi %mul3A_2, %add3A_9 : i32
    "tpu.region"() ({
      %run_scoped3A = tpu.sem_alloc : memref<!tpu.dma_semaphore, #tpu.memory_space<semaphore_mem>>
      %dma_start3A_17 = tpu.memref_slice %arg2[%add3A_10] : memref<4096xi32, #tpu.memory_space<hbm>> -> memref<64xi32, #tpu.memory_space<hbm>>
      %dma_start3A_18 = tpu.memref_slice %arg2[%add3A_10] : memref<4096xi32, #tpu.memory_space<hbm>> -> memref<64xi32, #tpu.memory_space<hbm>>
      tpu.enqueue_dma source(%dma_start3A_18 : memref<64xi32, #tpu.memory_space<hbm>>) target(%arg5 : memref<64xi32, #tpu.memory_space<vmem>>) target_semaphore(%run_scoped3A : memref<!tpu.dma_semaphore, #tpu.memory_space<semaphore_mem>>)
      %dma_wait3A_19 = tpu.memref_slice %arg2[%add3A_10] : memref<4096xi32, #tpu.memory_space<hbm>> -> memref<64xi32, #tpu.memory_space<hbm>>
      %dma_wait3A_20 = tpu.memref_slice %arg2[%add3A_10] : memref<4096xi32, #tpu.memory_space<hbm>> -> memref<64xi32, #tpu.memory_space<hbm>>
      tpu.wait_dma2 semaphore(%run_scoped3A : memref<!tpu.dma_semaphore, #tpu.memory_space<semaphore_mem>>) src(%dma_wait3A_20 : memref<64xi32, #tpu.memory_space<hbm>>) dst(%arg5 : memref<64xi32, #tpu.memory_space<vmem>>)
      tpu.yield
    }) : () -> ()
    %dma_start3A_11 = arith.constant 0 : i32
    %dma_start3A_12 = arith.constant 0 : i32
    %dma_start3A_13 = tpu.memref_slice %arg3[%dma_start3A_11, %dma_start3A_12] : memref<13248x768xf32, #tpu.memory_space<hbm>> -> memref<13248x768xf32, #tpu.memory_space<hbm>>
    tpu.enqueue_indirect_dma source(%dma_start3A_13 : memref<13248x768xf32, #tpu.memory_space<hbm>>) target(%arg6 : memref<64x768xf32, #tpu.memory_space<vmem>>) offsets(%arg5 : memref<64xi32, #tpu.memory_space<vmem>>) semaphore(%arg7 : memref<!tpu.dma_semaphore, #tpu.memory_space<semaphore_mem>>)
    %dma_wait3A_14 = arith.constant 0 : i32
    %dma_wait3A_15 = arith.constant 0 : i32
    %dma_wait3A_16 = tpu.memref_slice %arg3[%dma_wait3A_14, %dma_wait3A_15] : memref<13248x768xf32, #tpu.memory_space<hbm>> -> memref<13248x768xf32, #tpu.memory_space<hbm>>
    tpu.wait_indirect_dma semaphore(%arg7 : memref<!tpu.dma_semaphore, #tpu.memory_space<semaphore_mem>>) src(%dma_wait3A_16 : memref<13248x768xf32, #tpu.memory_space<hbm>>) dst(%arg6 : memref<64x768xf32, #tpu.memory_space<vmem>>)
    "tpu.region"() ({
      %run_scoped3A = tpu.sem_alloc : memref<!tpu.dma_semaphore, #tpu.memory_space<semaphore_mem>>
      %dma_start3A_17 = arith.constant 0 : i32
      %dma_start3A_18 = tpu.memref_slice %arg4[%add3A_10, %dma_start3A_17] : memref<4096x768xf32, #tpu.memory_space<hbm>> -> memref<64x768xf32, #tpu.memory_space<hbm>>
      %dma_start3A_19 = arith.constant 0 : i32
      %dma_start3A_20 = tpu.memref_slice %arg4[%add3A_10, %dma_start3A_19] : memref<4096x768xf32, #tpu.memory_space<hbm>> -> memref<64x768xf32, #tpu.memory_space<hbm>>
      tpu.enqueue_dma source(%arg6 : memref<64x768xf32, #tpu.memory_space<vmem>>) target(%dma_start3A_20 : memref<64x768xf32, #tpu.memory_space<hbm>>) target_semaphore(%run_scoped3A : memref<!tpu.dma_semaphore, #tpu.memory_space<semaphore_mem>>)
      %dma_wait3A_21 = arith.constant 0 : i32
      %dma_wait3A_22 = tpu.memref_slice %arg4[%add3A_10, %dma_wait3A_21] : memref<4096x768xf32, #tpu.memory_space<hbm>> -> memref<64x768xf32, #tpu.memory_space<hbm>>
      %dma_wait3A_23 = arith.constant 0 : i32
      %dma_wait3A_24 = tpu.memref_slice %arg4[%add3A_10, %dma_wait3A_23] : memref<4096x768xf32, #tpu.memory_space<hbm>> -> memref<64x768xf32, #tpu.memory_space<hbm>>
      tpu.wait_dma2 semaphore(%run_scoped3A : memref<!tpu.dma_semaphore, #tpu.memory_space<semaphore_mem>>) src(%arg6 : memref<64x768xf32, #tpu.memory_space<vmem>>) dst(%dma_wait3A_24 : memref<64x768xf32, #tpu.memory_space<hbm>>)
      tpu.yield
    }) : () -> ()
    return
  }
}

module attributes {stable_mosaic.version = 14 : i64} {
  func.func @_route_pos_body(%arg0: i32, %arg1: memref<512x768xf32, #tpu.memory_space<vmem>>, %arg2: memref<64x768xf32, #tpu.memory_space<vmem>>, %arg3: memref<512x2xf32, #tpu.memory_space<vmem>>, %arg4: memref<512x2xi32, #tpu.memory_space<vmem>>, %arg5: memref<92x1xi32, #tpu.memory_space<vmem>>, %arg6: memref<1x1xi32, #tpu.memory_space<vmem>>, %arg7: memref<1x64xf32, #tpu.memory_space<vmem>>, %arg8: memref<1x64xf32, #tpu.memory_space<vmem>>, %arg9: memref<4x512x2xi32, #tpu.memory_space<vmem>>, %arg10: memref<4x512x2xf32, #tpu.memory_space<vmem>>) attributes {dimension_semantics = [#tpu.dimension_semantics<arbitrary>], iteration_bounds = array<i64: 8>, scalar_prefetch = 0 : i64, scratch_operands = 4 : i64, tpu.core_type = #tpu.core_type<tc>, window_params = [{transform_indices = @transform_0, window_bounds = array<i64: 512, 768>}, {pipeline_mode = #tpu.pipeline_mode<synchronous>, transform_indices = @transform_1, window_bounds = array<i64: 64, 768>}, {transform_indices = @transform_2, window_bounds = array<i64: 512, 2>}, {transform_indices = @transform_3, window_bounds = array<i64: 512, 2>}, {pipeline_mode = #tpu.pipeline_mode<synchronous>, transform_indices = @transform_4, window_bounds = array<i64: 92, 1>}, {pipeline_mode = #tpu.pipeline_mode<synchronous>, transform_indices = @transform_5, window_bounds = array<i64: 1, 1>}]} {
    %iota3A = tpu.iota {dimensions = array<i32: 1>} : vector<512x64xi32>
    %eq3A = arith.constant 0 : i32
    %eq3A_0 = arith.cmpi eq, %arg0, %eq3A : i32
    %convert_element_type3A = arith.extui %eq3A_0 : i1 to i32
    %cond3A = arith.constant 0 : i32
    %cond3A_1 = arith.cmpi ne, %convert_element_type3A, %cond3A : i32
    scf.if %cond3A_1 {
      %broadcast_in_dim3A = arith.constant 0.000000e+00 : f32
      %broadcast_in_dim3A_15 = vector.broadcast %broadcast_in_dim3A : f32 to vector<1x64xf32>
      %swap3A = arith.constant 0 : index
      %swap3A_16 = arith.constant 0 : index
      %swap3A_17 = vector.load %arg7[%swap3A, %swap3A_16] : memref<1x64xf32, #tpu.memory_space<vmem>>, vector<1x64xf32>
      tpu.vector_store %arg7[%swap3A, %swap3A_16], %broadcast_in_dim3A_15 {strides = array<i32>} : memref<1x64xf32, #tpu.memory_space<vmem>>, vector<1x64xf32>,
    } else {
    }
    %lt3A = arith.constant 4 : i32
    %lt3A_2 = arith.cmpi slt, %arg0, %lt3A : i32
    %convert_element_type3A_3 = arith.extui %lt3A_2 : i1 to i32
    %cond3A_4 = arith.constant 0 : i32
    %cond3A_5 = arith.cmpi ne, %convert_element_type3A_3, %cond3A_4 : i32
    scf.if %cond3A_5 {
      %get3A = arith.constant 0 : index
      %get3A_15 = arith.constant 0 : index
      %get3A_16 = vector.load %arg1[%get3A, %get3A_15] : memref<512x768xf32, #tpu.memory_space<vmem>>, vector<512x768xf32>
      %get3A_17 = arith.constant 0 : index
      %get3A_18 = arith.constant 0 : index
      %get3A_19 = vector.load %arg2[%get3A_17, %get3A_18] : memref<64x768xf32, #tpu.memory_space<vmem>>, vector<64x768xf32>
      %dot_general3A = arith.constant dense<0.000000e+00> : vector<512x64xf32>
      %dot_general3A_20 = tpu.matmul %get3A_16, %get3A_19, %dot_general3A {dimension_numbers = #tpu.dot_dimension_numbers<[1], [1], [0], [0], [0, 0, 1, 0], [], []>, transpose_lhs_hint = false} : vector<512x768xf32>, vector<64x768xf32>, vector<512x64xf32> -> vector<512x64xf32>
      %reduce_max3A = arith.constant dense<0xFF800000> : vector<512xf32>
      %reduce_max3A_21 = vector.multi_reduction <maximumf>, %dot_general3A_20, %reduce_max3A [1] : vector<512x64xf32> to vector<512xf32>
      %broadcast_in_dim3A = vector.shape_cast %reduce_max3A_21 : vector<512xf32> to vector<512x1xf32>
      %sub3A = vector.broadcast %broadcast_in_dim3A : vector<512x1xf32> to vector<512x64xf32>
      %sub3A_22 = arith.subf %dot_general3A_20, %sub3A : vector<512x64xf32>
      %exp3A = math.exp %sub3A_22 : vector<512x64xf32>
      %reduce_sum3A = arith.constant dense<0.000000e+00> : vector<512xf32>
      %reduce_sum3A_23 = vector.multi_reduction <add>, %exp3A, %reduce_sum3A [1] : vector<512x64xf32> to vector<512xf32>
      %broadcast_in_dim3A_24 = vector.shape_cast %reduce_sum3A_23 : vector<512xf32> to vector<512x1xf32>
      %div3A = vector.broadcast %broadcast_in_dim3A_24 : vector<512x1xf32> to vector<512x64xf32>
      %div3A_25 = arith.divf %exp3A, %div3A : vector<512x64xf32>
      %argmax3A = tpu.reduce_index %div3A_25 {axis = 1 : i32, kind = #tpu.reduction_kind<arg_max>} : vector<512x64xf32> -> vector<512xi32>
      %broadcast_in_dim3A_26 = vector.shape_cast %argmax3A : vector<512xi32> to vector<512x1xi32>
      %reduce_max3A_27 = arith.constant dense<0xFF800000> : vector<512xf32>
      %reduce_max3A_28 = vector.multi_reduction <maximumf>, %div3A_25, %reduce_max3A_27 [1] : vector<512x64xf32> to vector<512xf32>
      %broadcast_in_dim3A_29 = vector.shape_cast %reduce_max3A_28 : vector<512xf32> to vector<512x1xf32>
      %eq3A_30 = vector.broadcast %broadcast_in_dim3A_26 : vector<512x1xi32> to vector<512x64xi32>
      %eq3A_31 = arith.cmpi eq, %iota3A, %eq3A_30 : vector<512x64xi32>
      %jit3A = arith.constant 0xFF800000 : f32
      %broadcast_in_dim3A_32 = vector.broadcast %jit3A : f32 to vector<512x64xf32>
      %select_n3A = arith.select %eq3A_31, %broadcast_in_dim3A_32, %div3A_25 : vector<512x64xi1>, vector<512x64xf32>
      %argmax3A_33 = tpu.reduce_index %select_n3A {axis = 1 : i32, kind = #tpu.reduction_kind<arg_max>} : vector<512x64xf32> -> vector<512xi32>
      %broadcast_in_dim3A_34 = vector.shape_cast %argmax3A_33 : vector<512xi32> to vector<512x1xi32>
      %reduce_max3A_35 = arith.constant dense<0xFF800000> : vector<512xf32>
      %reduce_max3A_36 = vector.multi_reduction <maximumf>, %select_n3A, %reduce_max3A_35 [1] : vector<512x64xf32> to vector<512xf32>
      %broadcast_in_dim3A_37 = vector.shape_cast %reduce_max3A_36 : vector<512xf32> to vector<512x1xf32>
      %concatenate3A = tpu.concatenate %broadcast_in_dim3A_26, %broadcast_in_dim3A_34 in 1 : vector<512x1xi32>, vector<512x1xi32> -> vector<512x2xi32>
      %swap3A = arith.index_cast %arg0 : i32 to index
      %swap3A_38 = arith.constant 0 : index
      %swap3A_39 = arith.constant 0 : index
      %swap3A_40 = vector.load %arg9[%swap3A, %swap3A_38, %swap3A_39] : memref<4x512x2xi32, #tpu.memory_space<vmem>>, vector<1x512x2xi32>
      %swap3A_41 = vector.shape_cast %swap3A_40 : vector<1x512x2xi32> to vector<512x2xi32>
      %swap3A_42 = vector.shape_cast %concatenate3A : vector<512x2xi32> to vector<1x512x2xi32>
      tpu.vector_store %arg9[%swap3A, %swap3A_38, %swap3A_39], %swap3A_42 {strides = array<i32>} : memref<4x512x2xi32, #tpu.memory_space<vmem>>, vector<1x512x2xi32>,
      %concatenate3A_43 = tpu.concatenate %broadcast_in_dim3A_29, %broadcast_in_dim3A_37 in 1 : vector<512x1xf32>, vector<512x1xf32> -> vector<512x2xf32>
      %swap3A_44 = arith.index_cast %arg0 : i32 to index
      %swap3A_45 = arith.constant 0 : index
      %swap3A_46 = arith.constant 0 : index
      %swap3A_47 = vector.load %arg10[%swap3A_44, %swap3A_45, %swap3A_46] : memref<4x512x2xf32, #tpu.memory_space<vmem>>, vector<1x512x2xf32>
      %swap3A_48 = vector.shape_cast %swap3A_47 : vector<1x512x2xf32> to vector<512x2xf32>
      %swap3A_49 = vector.shape_cast %concatenate3A_43 : vector<512x2xf32> to vector<1x512x2xf32>
      tpu.vector_store %arg10[%swap3A_44, %swap3A_45, %swap3A_46], %swap3A_49 {strides = array<i32>} : memref<4x512x2xf32, #tpu.memory_space<vmem>>, vector<1x512x2xf32>,
      %eq3A_50 = vector.broadcast %broadcast_in_dim3A_26 : vector<512x1xi32> to vector<512x64xi32>
      %eq3A_51 = arith.cmpi eq, %iota3A, %eq3A_50 : vector<512x64xi32>
      %convert_element_type3A_52 = arith.extui %eq3A_51 : vector<512x64xi1> to vector<512x64xi32>
      %convert_element_type3A_53 = arith.sitofp %convert_element_type3A_52 : vector<512x64xi32> to vector<512x64xf32>
      %eq3A_54 = vector.broadcast %broadcast_in_dim3A_34 : vector<512x1xi32> to vector<512x64xi32>
      %eq3A_55 = arith.cmpi eq, %iota3A, %eq3A_54 : vector<512x64xi32>
      %convert_element_type3A_56 = arith.extui %eq3A_55 : vector<512x64xi1> to vector<512x64xi32>
      %convert_element_type3A_57 = arith.sitofp %convert_element_type3A_56 : vector<512x64xi32> to vector<512x64xf32>
      %add3A = arith.addf %convert_element_type3A_53, %convert_element_type3A_57 : vector<512x64xf32>
      %get3A_58 = arith.constant 0 : index
      %get3A_59 = arith.constant 0 : index
      %get3A_60 = vector.load %arg7[%get3A_58, %get3A_59] : memref<1x64xf32, #tpu.memory_space<vmem>>, vector<1x64xf32>
      %reduce_sum3A_61 = arith.constant dense<0.000000e+00> : vector<64xf32>
      %reduce_sum3A_62 = vector.multi_reduction <add>, %add3A, %reduce_sum3A_61 [0] : vector<512x64xf32> to vector<64xf32>
      %broadcast_in_dim3A_63 = vector.shape_cast %reduce_sum3A_62 : vector<64xf32> to vector<1x64xf32>
      %add3A_64 = arith.addf %get3A_60, %broadcast_in_dim3A_63 : vector<1x64xf32>
      %swap3A_65 = arith.constant 0 : index
      %swap3A_66 = arith.constant 0 : index
      %swap3A_67 = vector.load %arg7[%swap3A_65, %swap3A_66] : memref<1x64xf32, #tpu.memory_space<vmem>>, vector<1x64xf32>
      tpu.vector_store %arg7[%swap3A_65, %swap3A_66], %add3A_64 {strides = array<i32>} : memref<1x64xf32, #tpu.memory_space<vmem>>, vector<1x64xf32>,
    } else {
    }
    %eq3A_6 = arith.constant 4 : i32
    %eq3A_7 = arith.cmpi eq, %arg0, %eq3A_6 : i32
    %convert_element_type3A_8 = arith.extui %eq3A_7 : i1 to i32
    %cond3A_9 = arith.constant 0 : i32
    %cond3A_10 = arith.cmpi ne, %convert_element_type3A_8, %cond3A_9 : i32
    scf.if %cond3A_10 {
      %get3A = arith.constant 0 : index
      %get3A_15 = arith.constant 0 : index
      %get3A_16 = vector.load %arg7[%get3A, %get3A_15] : memref<1x64xf32, #tpu.memory_space<vmem>>, vector<1x64xf32>
      %add3A = arith.constant 1.430000e+02 : f32
      %add3A_17 = vector.broadcast %add3A : f32 to vector<1x64xf32>
      %add3A_18 = arith.addf %get3A_16, %add3A_17 : vector<1x64xf32>
      %mul3A = arith.constant 0.0069444445 : f32
      %mul3A_19 = vector.broadcast %mul3A : f32 to vector<1x64xf32>
      %mul3A_20 = arith.mulf %add3A_18, %mul3A_19 : vector<1x64xf32>
      %floor3A = math.floor %mul3A_20 : vector<1x64xf32>
      %iota3A_21 = tpu.iota {dimensions = array<i32: 0>} : vector<64x64xi32>
      %iota3A_22 = tpu.iota {dimensions = array<i32: 1>} : vector<64x64xi32>
      %lt3A_23 = arith.cmpi slt, %iota3A_21, %iota3A_22 : vector<64x64xi32>
      %convert_element_type3A_24 = arith.extui %lt3A_23 : vector<64x64xi1> to vector<64x64xi32>
      %convert_element_type3A_25 = arith.sitofp %convert_element_type3A_24 : vector<64x64xi32> to vector<64x64xf32>
      %dot_general3A = arith.constant dense<0.000000e+00> : vector<1x64xf32>
      %dot_general3A_26 = tpu.matmul %floor3A, %convert_element_type3A_25, %dot_general3A {dimension_numbers = #tpu.dot_dimension_numbers<[1], [0], [0], [1], [0, 0, 1, 1], [], []>, transpose_lhs_hint = false} : vector<1x64xf32>, vector<64x64xf32>, vector<1x64xf32> -> vector<1x64xf32>
      %mul3A_27 = arith.constant 1.440000e+02 : f32
      %mul3A_28 = vector.broadcast %mul3A_27 : f32 to vector<1x64xf32>
      %mul3A_29 = arith.mulf %dot_general3A_26, %mul3A_28 : vector<1x64xf32>
      %swap3A = arith.constant 0 : index
      %swap3A_30 = arith.constant 0 : index
      %swap3A_31 = vector.load %arg8[%swap3A, %swap3A_30] : memref<1x64xf32, #tpu.memory_space<vmem>>, vector<1x64xf32>
      tpu.vector_store %arg8[%swap3A, %swap3A_30], %mul3A_29 {strides = array<i32>} : memref<1x64xf32, #tpu.memory_space<vmem>>, vector<1x64xf32>,
      %broadcast_in_dim3A = arith.constant 0.000000e+00 : f32
      %broadcast_in_dim3A_32 = vector.broadcast %broadcast_in_dim3A : f32 to vector<1x64xf32>
      %swap3A_33 = arith.constant 0 : index
      %swap3A_34 = arith.constant 0 : index
      %swap3A_35 = vector.load %arg7[%swap3A_33, %swap3A_34] : memref<1x64xf32, #tpu.memory_space<vmem>>, vector<1x64xf32>
      tpu.vector_store %arg7[%swap3A_33, %swap3A_34], %broadcast_in_dim3A_32 {strides = array<i32>} : memref<1x64xf32, #tpu.memory_space<vmem>>, vector<1x64xf32>,
      %add3A_36 = arith.addf %dot_general3A_26, %floor3A : vector<1x64xf32>
      %iota3A_37 = tpu.iota {dimensions = array<i32: 0>} : vector<92x64xi32>
      %convert_element_type3A_38 = arith.sitofp %iota3A_37 : vector<92x64xi32> to vector<92x64xf32>
      %ge3A_39 = vector.broadcast %add3A_36 : vector<1x64xf32> to vector<92x64xf32>
      %ge3A_40 = arith.cmpf oge, %convert_element_type3A_38, %ge3A_39 : vector<92x64xf32>
      %convert_element_type3A_41 = arith.extui %ge3A_40 : vector<92x64xi1> to vector<92x64xi32>
      %convert_element_type3A_42 = arith.sitofp %convert_element_type3A_41 : vector<92x64xi32> to vector<92x64xf32>
      %reduce_sum3A = arith.constant dense<0.000000e+00> : vector<92xf32>
      %reduce_sum3A_43 = vector.multi_reduction <add>, %convert_element_type3A_42, %reduce_sum3A [1] : vector<92x64xf32> to vector<92xf32>
      %broadcast_in_dim3A_44 = vector.shape_cast %reduce_sum3A_43 : vector<92xf32> to vector<92x1xf32>
      %min3A = arith.constant 6.300000e+01 : f32
      %min3A_45 = vector.broadcast %min3A : f32 to vector<92x1xf32>
      %min3A_46 = arith.minimumf %broadcast_in_dim3A_44, %min3A_45 : vector<92x1xf32>
      %convert_element_type3A_47 = arith.fptosi %min3A_46 : vector<92x1xf32> to vector<92x1xi32>
      %swap3A_48 = arith.constant 0 : index
      %swap3A_49 = arith.constant 0 : index
      %swap3A_50 = vector.load %arg5[%swap3A_48, %swap3A_49] : memref<92x1xi32, #tpu.memory_space<vmem>>, vector<92x1xi32>
      tpu.vector_store %arg5[%swap3A_48, %swap3A_49], %convert_element_type3A_47 {strides = array<i32>} : memref<92x1xi32, #tpu.memory_space<vmem>>, vector<92x1xi32>,
      %reduce_sum3A_51 = arith.constant dense<0.000000e+00> : vector<1xf32>
      %reduce_sum3A_52 = vector.multi_reduction <add>, %floor3A, %reduce_sum3A_51 [1] : vector<1x64xf32> to vector<1xf32>
      %broadcast_in_dim3A_53 = vector.shape_cast %reduce_sum3A_52 : vector<1xf32> to vector<1x1xf32>
      %convert_element_type3A_54 = arith.fptosi %broadcast_in_dim3A_53 : vector<1x1xf32> to vector<1x1xi32>
      %swap3A_55 = arith.constant 0 : index
      %swap3A_56 = arith.constant 0 : index
      %swap3A_57 = vector.load %arg6[%swap3A_55, %swap3A_56] : memref<1x1xi32, #tpu.memory_space<vmem>>, vector<1x1xi32>
      tpu.vector_store %arg6[%swap3A_55, %swap3A_56], %convert_element_type3A_54 {strides = array<i32>} : memref<1x1xi32, #tpu.memory_space<vmem>>, vector<1x1xi32>,
    } else {
    }
    %ge3A = arith.constant 4 : i32
    %ge3A_11 = arith.cmpi sge, %arg0, %ge3A : i32
    %convert_element_type3A_12 = arith.extui %ge3A_11 : i1 to i32
    %cond3A_13 = arith.constant 0 : i32
    %cond3A_14 = arith.cmpi ne, %convert_element_type3A_12, %cond3A_13 : i32
    scf.if %cond3A_14 {
      %sub3A = arith.constant 4 : i32
      %sub3A_15 = arith.subi %arg0, %sub3A : i32
      %get3A = arith.index_cast %sub3A_15 : i32 to index
      %get3A_16 = arith.constant 0 : index
      %get3A_17 = arith.constant 0 : index
      %get3A_18 = vector.load %arg9[%get3A, %get3A_16, %get3A_17] : memref<4x512x2xi32, #tpu.memory_space<vmem>>, vector<1x512x2xi32>
      %get3A_19 = vector.shape_cast %get3A_18 : vector<1x512x2xi32> to vector<512x2xi32>
      %slice3A = vector.extract_strided_slice %get3A_19 {offsets = [0, 0], sizes = [512, 1], strides = [1, 1]} : vector<512x2xi32> to vector<512x1xi32>
      %eq3A_20 = vector.broadcast %slice3A : vector<512x1xi32> to vector<512x64xi32>
      %eq3A_21 = arith.cmpi eq, %iota3A, %eq3A_20 : vector<512x64xi32>
      %convert_element_type3A_22 = arith.extui %eq3A_21 : vector<512x64xi1> to vector<512x64xi32>
      %convert_element_type3A_23 = arith.sitofp %convert_element_type3A_22 : vector<512x64xi32> to vector<512x64xf32>
      %slice3A_24 = vector.extract_strided_slice %get3A_19 {offsets = [0, 1], sizes = [512, 1], strides = [1, 1]} : vector<512x2xi32> to vector<512x1xi32>
      %eq3A_25 = vector.broadcast %slice3A_24 : vector<512x1xi32> to vector<512x64xi32>
      %eq3A_26 = arith.cmpi eq, %iota3A, %eq3A_25 : vector<512x64xi32>
      %convert_element_type3A_27 = arith.extui %eq3A_26 : vector<512x64xi1> to vector<512x64xi32>
      %convert_element_type3A_28 = arith.sitofp %convert_element_type3A_27 : vector<512x64xi32> to vector<512x64xf32>
      %add3A = arith.addf %convert_element_type3A_23, %convert_element_type3A_28 : vector<512x64xf32>
      %iota3A_29 = tpu.iota {dimensions = array<i32: 0>} : vector<512x512xi32>
      %iota3A_30 = tpu.iota {dimensions = array<i32: 1>} : vector<512x512xi32>
      %lt3A_31 = arith.cmpi slt, %iota3A_30, %iota3A_29 : vector<512x512xi32>
      %convert_element_type3A_32 = arith.extui %lt3A_31 : vector<512x512xi1> to vector<512x512xi32>
      %convert_element_type3A_33 = arith.sitofp %convert_element_type3A_32 : vector<512x512xi32> to vector<512x512xf32>
      %dot_general3A = arith.constant dense<0.000000e+00> : vector<512x64xf32>
      %dot_general3A_34 = tpu.matmul %convert_element_type3A_33, %add3A, %dot_general3A {dimension_numbers = #tpu.dot_dimension_numbers<[1], [0], [0], [1], [0, 0, 1, 1], [], []>, transpose_lhs_hint = false} : vector<512x512xf32>, vector<512x64xf32>, vector<512x64xf32> -> vector<512x64xf32>
      %get3A_35 = arith.constant 0 : index
      %get3A_36 = arith.constant 0 : index
      %get3A_37 = vector.load %arg8[%get3A_35, %get3A_36] : memref<1x64xf32, #tpu.memory_space<vmem>>, vector<1x64xf32>
      %get3A_38 = arith.constant 0 : index
      %get3A_39 = arith.constant 0 : index
      %get3A_40 = vector.load %arg7[%get3A_38, %get3A_39] : memref<1x64xf32, #tpu.memory_space<vmem>>, vector<1x64xf32>
      %add3A_41 = arith.addf %get3A_37, %get3A_40 : vector<1x64xf32>
      %add3A_42 = vector.broadcast %add3A_41 : vector<1x64xf32> to vector<512x64xf32>
      %add3A_43 = arith.addf %add3A_42, %dot_general3A_34 : vector<512x64xf32>
      %mul3A = arith.mulf %convert_element_type3A_23, %add3A_43 : vector<512x64xf32>
      %reduce_sum3A = arith.constant dense<0.000000e+00> : vector<512xf32>
      %reduce_sum3A_44 = vector.multi_reduction <add>, %mul3A, %reduce_sum3A [1] : vector<512x64xf32> to vector<512xf32>
      %broadcast_in_dim3A = vector.shape_cast %reduce_sum3A_44 : vector<512xf32> to vector<512x1xf32>
      %add3A_45 = arith.addf %add3A_43, %convert_element_type3A_23 : vector<512x64xf32>
      %mul3A_46 = arith.mulf %convert_element_type3A_28, %add3A_45 : vector<512x64xf32>
      %reduce_sum3A_47 = arith.constant dense<0.000000e+00> : vector<512xf32>
      %reduce_sum3A_48 = vector.multi_reduction <add>, %mul3A_46, %reduce_sum3A_47 [1] : vector<512x64xf32> to vector<512xf32>
      %broadcast_in_dim3A_49 = vector.shape_cast %reduce_sum3A_48 : vector<512xf32> to vector<512x1xf32>
      %concatenate3A = tpu.concatenate %broadcast_in_dim3A, %broadcast_in_dim3A_49 in 1 : vector<512x1xf32>, vector<512x1xf32> -> vector<512x2xf32>
      %convert_element_type3A_50 = arith.fptosi %concatenate3A : vector<512x2xf32> to vector<512x2xi32>
      %swap3A = arith.constant 0 : index
      %swap3A_51 = arith.constant 0 : index
      %swap3A_52 = vector.load %arg4[%swap3A, %swap3A_51] : memref<512x2xi32, #tpu.memory_space<vmem>>, vector<512x2xi32>
      tpu.vector_store %arg4[%swap3A, %swap3A_51], %convert_element_type3A_50 {strides = array<i32>} : memref<512x2xi32, #tpu.memory_space<vmem>>, vector<512x2xi32>,
      %sub3A_53 = arith.constant 4 : i32
      %sub3A_54 = arith.subi %arg0, %sub3A_53 : i32
      %get3A_55 = arith.index_cast %sub3A_54 : i32 to index
      %get3A_56 = arith.constant 0 : index
      %get3A_57 = arith.constant 0 : index
      %get3A_58 = vector.load %arg10[%get3A_55, %get3A_56, %get3A_57] : memref<4x512x2xf32, #tpu.memory_space<vmem>>, vector<1x512x2xf32>
      %get3A_59 = vector.shape_cast %get3A_58 : vector<1x512x2xf32> to vector<512x2xf32>
      %swap3A_60 = arith.constant 0 : index
      %swap3A_61 = arith.constant 0 : index
      %swap3A_62 = vector.load %arg3[%swap3A_60, %swap3A_61] : memref<512x2xf32, #tpu.memory_space<vmem>>, vector<512x2xf32>
      tpu.vector_store %arg3[%swap3A_60, %swap3A_61], %get3A_59 {strides = array<i32>} : memref<512x2xf32, #tpu.memory_space<vmem>>, vector<512x2xf32>,
      %get3A_63 = arith.constant 0 : index
      %get3A_64 = arith.constant 0 : index
      %get3A_65 = vector.load %arg7[%get3A_63, %get3A_64] : memref<1x64xf32, #tpu.memory_space<vmem>>, vector<1x64xf32>
      %reduce_sum3A_66 = arith.constant dense<0.000000e+00> : vector<64xf32>
      %reduce_sum3A_67 = vector.multi_reduction <add>, %add3A, %reduce_sum3A_66 [0] : vector<512x64xf32> to vector<64xf32>
      %broadcast_in_dim3A_68 = vector.shape_cast %reduce_sum3A_67 : vector<64xf32> to vector<1x64xf32>
      %add3A_69 = arith.addf %get3A_65, %broadcast_in_dim3A_68 : vector<1x64xf32>
      %swap3A_70 = arith.constant 0 : index
      %swap3A_71 = arith.constant 0 : index
      %swap3A_72 = vector.load %arg7[%swap3A_70, %swap3A_71] : memref<1x64xf32, #tpu.memory_space<vmem>>, vector<1x64xf32>
      tpu.vector_store %arg7[%swap3A_70, %swap3A_71], %add3A_69 {strides = array<i32>} : memref<1x64xf32, #tpu.memory_space<vmem>>, vector<1x64xf32>,
    } else {
    }
    return
  }
  func.func @transform_0(%arg0: i32) -> (i32, i32) {
    %lt3A = arith.constant 4 : i32
    %lt3A_0 = arith.cmpi slt, %arg0, %lt3A : i32
    %sub3A = arith.constant 4 : i32
    %sub3A_1 = arith.subi %arg0, %sub3A : i32
    %select_n3A = arith.select %lt3A_0, %arg0, %sub3A_1 : i32
    %c0_i32 = arith.constant 0 : i32
    %c0_i32_2 = arith.constant 0 : i32
    return %select_n3A, %c0_i32 : i32, i32
  }
  func.func @transform_1(%arg0: i32) -> (i32, i32) {
    %c0_i32 = arith.constant 0 : i32
    %c0_i32_0 = arith.constant 0 : i32
    %c0_i32_1 = arith.constant 0 : i32
    return %c0_i32, %c0_i32_0 : i32, i32
  }
  func.func @transform_2(%arg0: i32) -> (i32, i32) {
    %lt3A = arith.constant 4 : i32
    %lt3A_0 = arith.cmpi slt, %arg0, %lt3A : i32
    %sub3A = arith.constant 4 : i32
    %sub3A_1 = arith.subi %arg0, %sub3A : i32
    %jit3A = arith.constant 0 : i32
    %select_n3A = arith.select %lt3A_0, %jit3A, %sub3A_1 : i32
    %c0_i32 = arith.constant 0 : i32
    %c0_i32_2 = arith.constant 0 : i32
    return %select_n3A, %c0_i32 : i32, i32
  }
  func.func @transform_3(%arg0: i32) -> (i32, i32) {
    %lt3A = arith.constant 4 : i32
    %lt3A_0 = arith.cmpi slt, %arg0, %lt3A : i32
    %sub3A = arith.constant 4 : i32
    %sub3A_1 = arith.subi %arg0, %sub3A : i32
    %jit3A = arith.constant 0 : i32
    %select_n3A = arith.select %lt3A_0, %jit3A, %sub3A_1 : i32
    %c0_i32 = arith.constant 0 : i32
    %c0_i32_2 = arith.constant 0 : i32
    return %select_n3A, %c0_i32 : i32, i32
  }
  func.func @transform_4(%arg0: i32) -> (i32, i32) {
    %c0_i32 = arith.constant 0 : i32
    %c0_i32_0 = arith.constant 0 : i32
    %c0_i32_1 = arith.constant 0 : i32
    return %c0_i32, %c0_i32_0 : i32, i32
  }
  func.func @transform_5(%arg0: i32) -> (i32, i32) {
    %c0_i32 = arith.constant 0 : i32
    %c0_i32_0 = arith.constant 0 : i32
    %c0_i32_1 = arith.constant 0 : i32
    return %c0_i32, %c0_i32_0 : i32, i32
  }
}

module attributes {stable_mosaic.version = 14 : i64} {
  func.func @_expert_body(%arg0: i32, %arg1: memref<92xi32, #tpu.memory_space<smem>>, %arg2: memref<1xi32, #tpu.memory_space<smem>>, %arg3: memref<144x768xf32, #tpu.memory_space<vmem>>, %arg4: memref<1x1536x768xf32, #tpu.memory_space<vmem>>, %arg5: memref<1x1536x768xf32, #tpu.memory_space<vmem>>, %arg6: memref<1x768x1536xf32, #tpu.memory_space<vmem>>, %arg7: memref<144x768xf32, #tpu.memory_space<vmem>>) attributes {dimension_semantics = [#tpu.dimension_semantics<arbitrary>], iteration_bounds = array<i64: 92>, scalar_prefetch = 2 : i64, scratch_operands = 0 : i64, tpu.core_type = #tpu.core_type<tc>, window_params = [{transform_indices = @transform_0, window_bounds = array<i64: 144, 768>}, {transform_indices = @transform_1, window_bounds = array<i64: 1, 1536, 768>}, {transform_indices = @transform_2, window_bounds = array<i64: 1, 1536, 768>}, {transform_indices = @transform_3, window_bounds = array<i64: 1, 768, 1536>}, {transform_indices = @transform_4, window_bounds = array<i64: 144, 768>}]} {
    %get3A = arith.constant 0 : index
    %get3A_0 = memref.load %arg2[%get3A] : memref<1xi32, #tpu.memory_space<smem>>
    %lt3A = arith.cmpi slt, %arg0, %get3A_0 : i32
    %convert_element_type3A = arith.extui %lt3A : i1 to i32
    %cond3A = arith.constant 0 : i32
    %cond3A_1 = arith.cmpi ne, %convert_element_type3A, %cond3A : i32
    scf.if %cond3A_1 {
      %get3A_2 = arith.constant 0 : index
      %get3A_3 = arith.constant 0 : index
      %get3A_4 = vector.load %arg3[%get3A_2, %get3A_3] : memref<144x768xf32, #tpu.memory_space<vmem>>, vector<144x768xf32>
      %convert_element_type3A_5 = arith.truncf %get3A_4 : vector<144x768xf32> to vector<144x768xbf16>
      %get3A_6 = arith.constant 0 : index
      %get3A_7 = arith.constant 0 : index
      %get3A_8 = arith.constant 0 : index
      %get3A_9 = vector.load %arg4[%get3A_6, %get3A_7, %get3A_8] : memref<1x1536x768xf32, #tpu.memory_space<vmem>>, vector<1x1536x768xf32>
      %get3A_10 = vector.shape_cast %get3A_9 : vector<1x1536x768xf32> to vector<1536x768xf32>
      %convert_element_type3A_11 = arith.truncf %get3A_10 : vector<1536x768xf32> to vector<1536x768xbf16>
      %get3A_12 = arith.constant 0 : index
      %get3A_13 = arith.constant 0 : index
      %get3A_14 = arith.constant 0 : index
      %get3A_15 = vector.load %arg5[%get3A_12, %get3A_13, %get3A_14] : memref<1x1536x768xf32, #tpu.memory_space<vmem>>, vector<1x1536x768xf32>
      %get3A_16 = vector.shape_cast %get3A_15 : vector<1x1536x768xf32> to vector<1536x768xf32>
      %convert_element_type3A_17 = arith.truncf %get3A_16 : vector<1536x768xf32> to vector<1536x768xbf16>
      %get3A_18 = arith.constant 0 : index
      %get3A_19 = arith.constant 0 : index
      %get3A_20 = arith.constant 0 : index
      %get3A_21 = vector.load %arg6[%get3A_18, %get3A_19, %get3A_20] : memref<1x768x1536xf32, #tpu.memory_space<vmem>>, vector<1x768x1536xf32>
      %get3A_22 = vector.shape_cast %get3A_21 : vector<1x768x1536xf32> to vector<768x1536xf32>
      %convert_element_type3A_23 = arith.truncf %get3A_22 : vector<768x1536xf32> to vector<768x1536xbf16>
      %dot_general3A = arith.constant dense<0.000000e+00> : vector<144x1536xf32>
      %dot_general3A_24 = tpu.matmul %convert_element_type3A_5, %convert_element_type3A_11, %dot_general3A {dimension_numbers = #tpu.dot_dimension_numbers<[1], [1], [0], [0], [0, 0, 1, 0], [], []>, transpose_lhs_hint = false} : vector<144x768xbf16>, vector<1536x768xbf16>, vector<144x1536xf32> -> vector<144x1536xf32>
      %dot_general3A_25 = arith.constant dense<0.000000e+00> : vector<144x1536xf32>
      %dot_general3A_26 = tpu.matmul %convert_element_type3A_5, %convert_element_type3A_17, %dot_general3A_25 {dimension_numbers = #tpu.dot_dimension_numbers<[1], [1], [0], [0], [0, 0, 1, 0], [], []>, transpose_lhs_hint = false} : vector<144x768xbf16>, vector<1536x768xbf16>, vector<144x1536xf32> -> vector<144x1536xf32>
      %logistic3A = arith.negf %dot_general3A_24 : vector<144x1536xf32>
      %logistic3A_27 = math.exp %logistic3A : vector<144x1536xf32>
      %logistic3A_28 = arith.constant 1.000000e+00 : f32
      %logistic3A_29 = vector.broadcast %logistic3A_28 : f32 to vector<144x1536xf32>
      %logistic3A_30 = arith.addf %logistic3A_29, %logistic3A_27 : vector<144x1536xf32>
      %logistic3A_31 = arith.divf %logistic3A_29, %logistic3A_30 : vector<144x1536xf32>
      %mul3A = arith.mulf %dot_general3A_24, %logistic3A_31 : vector<144x1536xf32>
      %mul3A_32 = arith.mulf %mul3A, %dot_general3A_26 : vector<144x1536xf32>
      %convert_element_type3A_33 = arith.truncf %mul3A_32 : vector<144x1536xf32> to vector<144x1536xbf16>
      %dot_general3A_34 = arith.constant dense<0.000000e+00> : vector<144x768xf32>
      %dot_general3A_35 = tpu.matmul %convert_element_type3A_33, %convert_element_type3A_23, %dot_general3A_34 {dimension_numbers = #tpu.dot_dimension_numbers<[1], [1], [0], [0], [0, 0, 1, 0], [], []>, transpose_lhs_hint = false} : vector<144x1536xbf16>, vector<768x1536xbf16>, vector<144x768xf32> -> vector<144x768xf32>
      %swap3A = arith.constant 0 : index
      %swap3A_36 = arith.constant 0 : index
      %swap3A_37 = vector.load %arg7[%swap3A, %swap3A_36] : memref<144x768xf32, #tpu.memory_space<vmem>>, vector<144x768xf32>
      tpu.vector_store %arg7[%swap3A, %swap3A_36], %dot_general3A_35 {strides = array<i32>} : memref<144x768xf32, #tpu.memory_space<vmem>>, vector<144x768xf32>,
    } else {
    }
    return
  }
  func.func @transform_0(%arg0: i32, %arg1: memref<92xi32, #tpu.memory_space<smem>>, %arg2: memref<1xi32, #tpu.memory_space<smem>>) -> (i32, i32) {
    %c0_i32 = arith.constant 0 : i32
    %c0_i32_0 = arith.constant 0 : i32
    return %arg0, %c0_i32 : i32, i32
  }
  func.func @transform_1(%arg0: i32, %arg1: memref<92xi32, #tpu.memory_space<smem>>, %arg2: memref<1xi32, #tpu.memory_space<smem>>) -> (i32, i32, i32) {
    %get3A = arith.index_cast %arg0 : i32 to index
    %get3A_0 = memref.load %arg1[%get3A] : memref<92xi32, #tpu.memory_space<smem>>
    %c0_i32 = arith.constant 0 : i32
    %c0_i32_1 = arith.constant 0 : i32
    %c0_i32_2 = arith.constant 0 : i32
    return %get3A_0, %c0_i32, %c0_i32_1 : i32, i32, i32
  }
  func.func @transform_2(%arg0: i32, %arg1: memref<92xi32, #tpu.memory_space<smem>>, %arg2: memref<1xi32, #tpu.memory_space<smem>>) -> (i32, i32, i32) {
    %get3A = arith.index_cast %arg0 : i32 to index
    %get3A_0 = memref.load %arg1[%get3A] : memref<92xi32, #tpu.memory_space<smem>>
    %c0_i32 = arith.constant 0 : i32
    %c0_i32_1 = arith.constant 0 : i32
    %c0_i32_2 = arith.constant 0 : i32
    return %get3A_0, %c0_i32, %c0_i32_1 : i32, i32, i32
  }
  func.func @transform_3(%arg0: i32, %arg1: memref<92xi32, #tpu.memory_space<smem>>, %arg2: memref<1xi32, #tpu.memory_space<smem>>) -> (i32, i32, i32) {
    %get3A = arith.index_cast %arg0 : i32 to index
    %get3A_0 = memref.load %arg1[%get3A] : memref<92xi32, #tpu.memory_space<smem>>
    %c0_i32 = arith.constant 0 : i32
    %c0_i32_1 = arith.constant 0 : i32
    %c0_i32_2 = arith.constant 0 : i32
    return %get3A_0, %c0_i32, %c0_i32_1 : i32, i32, i32
  }
  func.func @transform_4(%arg0: i32, %arg1: memref<92xi32, #tpu.memory_space<smem>>, %arg2: memref<1xi32, #tpu.memory_space<smem>>) -> (i32, i32) {
    %c0_i32 = arith.constant 0 : i32
    %c0_i32_0 = arith.constant 0 : i32
    return %arg0, %c0_i32 : i32, i32
  }
}

module attributes {stable_mosaic.version = 14 : i64} {
  func.func @_combine_body(%arg0: i32, %arg1: memref<512x2x768xf32, #tpu.memory_space<vmem>>, %arg2: memref<512x2xf32, #tpu.memory_space<vmem>>, %arg3: memref<512x768xf32, #tpu.memory_space<vmem>>) attributes {dimension_semantics = [#tpu.dimension_semantics<arbitrary>], iteration_bounds = array<i64: 4>, scalar_prefetch = 0 : i64, scratch_operands = 0 : i64, tpu.core_type = #tpu.core_type<tc>, window_params = [{transform_indices = @transform_0, window_bounds = array<i64: 512, 2, 768>}, {transform_indices = @transform_1, window_bounds = array<i64: 512, 2>}, {transform_indices = @transform_2, window_bounds = array<i64: 512, 768>}]} {
    %get3A = arith.constant 0 : index
    %get3A_0 = arith.constant 0 : index
    %get3A_1 = vector.load %arg2[%get3A, %get3A_0] : memref<512x2xf32, #tpu.memory_space<vmem>>, vector<512x2xf32>
    %slice3A = vector.extract_strided_slice %get3A_1 {offsets = [0, 0], sizes = [512, 1], strides = [1, 1]} : vector<512x2xf32> to vector<512x1xf32>
    %get3A_2 = arith.constant 0 : index
    %get3A_3 = arith.constant 0 : index
    %get3A_4 = arith.constant 0 : index
    %get3A_5 = vector.load %arg1[%get3A_2, %get3A_3, %get3A_4] : memref<512x2x768xf32, #tpu.memory_space<vmem>>, vector<512x1x768xf32>
    %get3A_6 = vector.shape_cast %get3A_5 : vector<512x1x768xf32> to vector<512x768xf32>
    %mul3A = vector.broadcast %slice3A : vector<512x1xf32> to vector<512x768xf32>
    %mul3A_7 = arith.mulf %mul3A, %get3A_6 : vector<512x768xf32>
    %slice3A_8 = vector.extract_strided_slice %get3A_1 {offsets = [0, 1], sizes = [512, 1], strides = [1, 1]} : vector<512x2xf32> to vector<512x1xf32>
    %get3A_9 = arith.constant 0 : index
    %get3A_10 = arith.constant 1 : index
    %get3A_11 = arith.constant 0 : index
    %get3A_12 = vector.load %arg1[%get3A_9, %get3A_10, %get3A_11] : memref<512x2x768xf32, #tpu.memory_space<vmem>>, vector<512x1x768xf32>
    %get3A_13 = vector.shape_cast %get3A_12 : vector<512x1x768xf32> to vector<512x768xf32>
    %mul3A_14 = vector.broadcast %slice3A_8 : vector<512x1xf32> to vector<512x768xf32>
    %mul3A_15 = arith.mulf %mul3A_14, %get3A_13 : vector<512x768xf32>
    %add3A = arith.addf %mul3A_7, %mul3A_15 : vector<512x768xf32>
    %swap3A = arith.constant 0 : index
    %swap3A_16 = arith.constant 0 : index
    %swap3A_17 = vector.load %arg3[%swap3A, %swap3A_16] : memref<512x768xf32, #tpu.memory_space<vmem>>, vector<512x768xf32>
    tpu.vector_store %arg3[%swap3A, %swap3A_16], %add3A {strides = array<i32>} : memref<512x768xf32, #tpu.memory_space<vmem>>, vector<512x768xf32>,
    return
  }
  func.func @transform_0(%arg0: i32) -> (i32, i32, i32) {
    %c0_i32 = arith.constant 0 : i32
    %c0_i32_0 = arith.constant 0 : i32
    %c0_i32_1 = arith.constant 0 : i32
    return %arg0, %c0_i32, %c0_i32_0 : i32, i32, i32
  }
  func.func @transform_1(%arg0: i32) -> (i32, i32) {
    %c0_i32 = arith.constant 0 : i32
    %c0_i32_0 = arith.constant 0 : i32
    return %arg0, %c0_i32 : i32, i32
  }
  func.func @transform_2(%arg0: i32) -> (i32, i32) {
    %c0_i32 = arith.constant 0 : i32
    %c0_i32_0 = arith.constant 0 : i32
    return %arg0, %c0_i32 : i32, i32
  }
}

</mosaic_0001>

<sc_bundles>
// kernel: kernel.10.cloned.1.call-start
scs
__scs_entry_jumppad:
0x0: {  	(pc) =	sbr.rel $0x88, $3  }
0x1: {  	(tag) =	ssettag $0x0;
	lr =	simm.s32 $0x1  }
0x2: {  	[smem:$0x3F9C] =	sst lr;
	_ =	strace $0xD0000000  }
0x3: {  	_ = 	snop  }
0x4: {  	_ = 	snop  }
0x5: {  	_ = 	snop  }
0x6: {  	_ = 	snop  }
0x7: {  	_ = 	snop  }
__scs_overlays_trampoline_lowered:
0x8: {  	[smem:$0x3FAB] =	sst s0  }
0x9: {  	[smem:$0x3FAC] =	sst s1  }
0xa: {  	[smem:$0x3FAD] =	sst s2  }
0xb: {  	[smem:$0x3FAE] =	sst s3  }
0xc: {  	[smem:$0x3FAF] =	sst s4  }
0xd: {  	[smem:$0x3FB0] =	sst s5  }
0xe: {  	[smem:$0x3FB1] =	sst s6  }
0xf: {  	[smem:$0x3FB2] =	sst s7  }
0x10: {  	[smem:$0x3FB3] =	sst s8  }
0x11: {  	[smem:$0x3FB4] =	sst s9;
	s0 =	simm.s32 @!p0 $0x0  }
0x12: {  	s1 =	sld [smem:$0x3F9A];
	s0 =	simm.s32 @p0 $0x1  }
0x13: {  	[smem:$0x3FB5] =	sst s0;
	s0 =	simm.s32 @!p1 $0x0  }
0x14: {  	s2 =	sld [smem:$0x3F99];
	s0 =	simm.s32 @p1 $0x1  }
0x15: {  	[smem:$0x3FB6] =	sst s0;
	s0 =	simm.s32 @!p2 $0x0  }
0x16: {  	s3 =	sld [smem:$0x3FDB];
	s0 =	simm.s32 @p2 $0x1  }
0x17: {  	s4 =	simm.s32 $0x1BF5;
	[smem:$0x3FB8] =	sst s0  }
0x18: {  	s0 =	sld [smem:$0x3F9B];
	_ =	swait.ge [sflag:s4], $0x0  }
0x19: {  	s7 =	sld [smem:$0x3F9C]  }
0x1a: {  	s8 =	sadd.s32 $0xFFFFE003, lr  }
0x1b: {  	s9 =	sadd.s32 $0xFFFFFEF7, lr;
	s5 =	simm.s32 $0xFFFFFFFF;
	p2 =	slt.u32 s8, $0xFFFFF086  }
0x1c: {  	p1 =	slt.u32 s9, $0xF7A;
	s5 =	simm.s32 @!p2 $0x0  }
0x1d: {  	s5 =	simm.s32 @p1 $0x1;
	p0 =	seq.s32 s7, s2  }
0x1e: {  	s7 =	smul.u32 @!p0 $0xF7A, s2;
	p2 =	seq.s32 @!p0 s5, $0x0  }
0x1f: {  	s9 =	smul.u32 $0xF7A, s1;
	s8 =	simm.s32 @!p0 $0x1BF5;
	p2 =	por !p2, p0  }
0x20: {  	[sflag:s8] =	ssyncset.s32 @!p0 $0xFFFFF086;
	s6 =	sadd.s32 @!p0 s3, s7;
	s7 =	simm.s32 @!p0 $0x108  }
0x21: {  	s3 =	sadd.s32 s3, s9;
	s6 =	sadd.s32 @!p0 $0x88, s6;
	s7 =	simm.s32 @p2 $0x1082  }
0x22: {  	[simem:s7], [sflag:s8] =	dma.local @!p0 [hbm:s6], $0xF7A  }
0x23: {  	s9 =	sor.u32 $0xD0000000, s2;
	s6 =	simm.s32 $0x108;
	_ =	swait.ge @!p0 [sflag:s8], $0x0  }
0x24: {  	s3 =	sadd.s32 $0x88, s3;
	s6 =	simm.s32 @!p1 $0x1082;
	[sflag:s4] =	ssyncset.s32 $0xFFFFF086  }
0x25: {  	[simem:s6], [sflag:s4] =	dma.local [hbm:s3], $0xF7A  }
0x26: {  	[smem:$0x3F9C] =	sst s1;
	(tag) =	ssettag s2;
	_ =	strace s9  }
0x27: {  	s1 =	sld [smem:$0x3FAC]  }
0x28: {  	s2 =	sld [smem:$0x3FAD]  }
0x29: {  	s4 =	sld [smem:$0x3FAF]  }
0x2a: {  	p0 =	seq.s32 s5, $0x0;
	s5 =	sld [smem:$0x3FB0]  }
0x2b: {  	s6 =	sld [smem:$0x3FB1]  }
0x2c: {  	s7 =	sld [smem:$0x3FB2]  }
0x2d: {  	s3 =	simm.s32 $0x108;
	s8 =	sld [smem:$0x3FB3]  }
0x2e: {  	s3 =	simm.s32 @!p0 $0x1082;
	s9 =	sld [smem:$0x3FB4]  }
0x2f: {  	lr =	sadd.s32 s0, s3;
	s0 =	sld [smem:$0x3FAB]  }
0x30: {  	s3 =	sld [smem:$0x3FAE]  }
0x31: {  	[smem:$0x3FB7] =	sst s10  }
0x32: {  	s10 =	sld [smem:$0x3FB5];
	_ =	sdelay $0x3  }
0x33: {  	p0 =	seq.s32 s10, $0x1;
	s10 =	sld [smem:$0x3FB7];
	_ =	sdelay $0x3  }
0x34: {  	[smem:$0x3FB7] =	sst s10  }
0x35: {  	s10 =	sld [smem:$0x3FB6];
	_ =	sdelay $0x3  }
0x36: {  	p1 =	seq.s32 s10, $0x1;
	s10 =	sld [smem:$0x3FB7];
	_ =	sdelay $0x3  }
0x37: {  	[smem:$0x3FB7] =	sst s10  }
0x38: {  	s10 =	sld [smem:$0x3FB8]  }
0x39: {  	_ = 	snop;
	(pc) =	sbr.ind lr, $3  }
0x3a: {  	_ = 	snop  }
0x3b: {  	_ = 	snop  }
0x3c: {  	p2 =	seq.s32 s10, $0x1;
	s10 =	sld [smem:$0x3FB7]  }
0x3d: {  	_ =	shalt  }
0x3e: {  	_ =	shalt  }
0x3f: {  	_ =	shalt  }
0x40: {  	_ =	shalt  }
0x41: {  	_ =	shalt  }
0x42: {  	_ =	shalt  }
0x43: {  	_ =	shalt  }
0x44: {  	_ =	shalt  }
0x45: {  	_ =	shalt  }
0x46: {  	_ =	shalt  }
0x47: {  	_ =	shalt  }
0x48: {  	_ =	shalt  }
0x49: {  	_ =	shalt  }
0x4a: {  	_ =	shalt  }
0x4b: {  	_ =	shalt  }
0x4c: {  	_ =	shalt  }
0x4d: {  	_ =	shalt  }
0x4e: {  	_ =	shalt  }
0x4f: {  	_ =	shalt  }
0x50: {  	_ =	shalt  }
0x51: {  	_ =	shalt  }
0x52: {  	_ =	shalt  }
0x53: {  	_ =	shalt  }
0x54: {  	_ =	shalt  }
0x55: {  	_ =	shalt  }
0x56: {  	_ =	shalt  }
0x57: {  	_ =	shalt  }
0x58: {  	_ =	shalt  }
0x59: {  	_ =	shalt  }
0x5a: {  	_ =	shalt  }
0x5b: {  	_ =	shalt  }
0x5c: {  	_ =	shalt  }
0x5d: {  	_ =	shalt  }
0x5e: {  	_ =	shalt  }
0x5f: {  	_ =	shalt  }
0x60: {  	_ =	shalt  }
0x61: {  	_ =	shalt  }
0x62: {  	_ =	shalt  }
0x63: {  	_ =	shalt  }
0x64: {  	_ =	shalt  }
0x65: {  	_ =	shalt  }
0x66: {  	_ =	shalt  }
0x67: {  	_ =	shalt  }
0x68: {  	_ =	shalt  }
0x69: {  	_ =	shalt  }
0x6a: {  	_ =	shalt  }
0x6b: {  	_ =	shalt  }
0x6c: {  	_ =	shalt  }
0x6d: {  	_ =	shalt  }
0x6e: {  	_ =	shalt  }
0x6f: {  	_ =	shalt  }
0x70: {  	_ =	shalt  }
0x71: {  	_ =	shalt  }
0x72: {  	_ =	shalt  }
0x73: {  	_ =	shalt  }
0x74: {  	_ =	shalt  }
0x75: {  	_ =	shalt  }
0x76: {  	_ =	shalt  }
0x77: {  	_ =	shalt  }
0x78: {  	_ =	shalt  }
0x79: {  	_ =	shalt  }
0x7a: {  	_ =	shalt  }
0x7b: {  	_ =	shalt  }
0x7c: {  	_ =	shalt  }
0x7d: {  	_ =	shalt  }
0x7e: {  	_ =	shalt  }
0x7f: {  	_ =	shalt  }
0x80: {  	_ =	shalt  }
0x81: {  	_ =	shalt  }
0x82: {  	_ =	shalt  }
0x83: {  	_ =	shalt  }
0x84: {  	_ =	shalt  }
0x85: {  	_ =	shalt  }
0x86: {  	_ =	shalt  }
0x87: {  	_ =	shalt  }
.Lfunc_end0:
.L_simem_size_0:
called_computation.1_lowered:
.L_overlay_start_0:
0x88: {  	s2 =	sld [smem:$0x3FD9]  }
0x89: {  	s3 =	sld [smem:$0x3FFE];
	_ =	sdelay $0x1  }
0x8a: {  	s1 =	srdreg.scid  }
0x8b: {  	s0 =	sand.u32 $0x1, s1  }
0x8c: {  	s16 =	sshll.u32 s0, $0xA;
	s2 =	sadd.s32 s3, s2  }
0x8d: {  	s2 =	sadd.s32 s2, s16  }
0x8e: {  	[smem:$0x3FC3] =	sst s2  }
0x8f: {  	_ = 	snop  }
0x90: {  	(tm) =	ssettm $0x1  }
0x91: {  	s17 =	sld [smem:$0x3FFB];
	_ =	sdelay $0x3  }
0x92: {  	_ =	strace s17  }
0x93: {  	s2 =	sld [smem:$0x3FFC];
	_ =	sdelay $0x3  }
0x94: {  	_ =	strace s2  }
0x95: {  	s2 =	sld [smem:$0x3FFD];
	_ =	sdelay $0x3  }
0x96: {  	_ =	strace s2  }
0x97: {  	_ =	strace $0x8FFFFFFF  }
0x98: {  	s18 =	sld [smem:$0x3FDB];
	_ =	sdelay $0x1  }
0x99: {  	s19 =	simm.s32 $_scs_section_size  }
0x9a: {  	s4 =	simm.s32 $_size__tile_overlayer_lowered;
	s5 =	simm.s32 $_tile_overlayer_lowered  }
0x9b: {  	s22 =	simm.s32 $0x1BFF;
	s21 =	sshll.u32 s5, $0x1;
	s2 =	sadd.s32 s19, s18  }
0x9c: {  	s6 =	simm.s32 $0x0;
	s20 =	sshll.u32 s4, $0x1;
	s4 =	sadd.s32 s21, s2  }
0x9d: {  	[timem:s6], [sflag:s22] =	dma.local [hbm:s4], s20  }
0x9e: {  	_ =	swait.ge [sflag:s22], s20  }
0x9f: {  	s3 =	ssub.s32 $0x0, s20;
	[sflag:s22] =	ssyncset.done $0x0  }
0xa0: {  	[sflag:s22] =	ssyncadd.s32 s3;
	_ =	sdelay $0x1  }
0xa1: {  	s23 =	simm.s32 $0x1B8B  }
0xa2: {  	_ =	swait.ge [sflag:s23], $0x1  }
0xa3: {  	[sflag:s23] =	ssyncset.done $0x0  }
0xa4: {  	s25 =	simm.s32 $0x1B8E;
	s24 =	sld [smem:$0x3FFE];
	[sflag:s23] =	ssyncadd.s32 $0xFFFFFFFF  }
0xa5: {  	s26 =	simm.s32 $execute0_lowered;
	[smem:$0x3FD2] =	sst s25  }
0xa6: {  	s4 =	sshll.u32 s26, $0x1;
	_ =	strace $0x80000049;
	[dreg:$0x1] =	wrdreg $0xFFFFFFFF  }
0xa7: {  	s28 =	simm.s32 $_size_execute0_lowered;
	s2 =	sadd.s32 s2, s4;
	[dreg:$0x0] =	wrdreg $0x0  }
0xa8: {  	s4 =	sshll.u32 s28, $0x1;
	[dreg:$0x2] =	wrdreg s2  }
0xa9: {  	[dreg:$0x3] =	wrdreg s4  }
0xaa: {  	[dreg:$0x4] =	wrdreg $0xC0  }
0xab: {  	_ =	task [dreg:s6], $0x5FFFF  }
0xac: {  	[dreg:$0x1] =	wrdreg $0xFFFFFFFF  }
0xad: {  	[dreg:$0x0] =	wrdreg $0x60  }
0xae: {  	[dreg:$0x2] =	wrdreg s24  }
0xaf: {  	[dreg:$0x3] =	wrdreg $0x9  }
0xb0: {  	_ =	task.clear_ibuf [dreg:s6], $0x4FFFF;
	_ =	strace $0x90000049  }
0xb1: {  	s29 =	simm.s32 $0x9;
	_ =	strace $0x8000004B  }
0xb2: {  	_ =	swait.ge [sflag:s29], $0x1  }
0xb3: {  	[sflag:s29] =	ssyncadd.s32 $0xFFFFFFFF  }
0xb4: {  	_ =	strace $0x9000004B  }
0xb5: {  	_ =	sfence  }
0xb6: {  	s30 =	sld [smem:$0x0];
	_ =	sdelay $0x2  }
0xb7: {  	s31 =	sshll.u32 s1, $0xD;
	s1 =	sshrl.u32 s1, $0x2  }
0xb8: {  	s3 =	sand.u32 $0x4000, s31;
	s1 =	sadd.s32 s1, s30  }
0xb9: {  	s0 =	sor.u32 s3, s0;
	s1 =	sshll.u32 s1, $0x11  }
0xba: {  	s0 =	sor.u32 s1, s0  }
0xbb: {  	s0 =	sadd.s32 $0x8F2B, s0  }
0xbc: {  	[sflag:s0] =	ssyncadd.remote.s32 $0x1  }
0xbd: {  	_ =	sfence.sel $0xFFFF  }
0xbe: {  	[dreg:$0x0] =	wrdreg $0xFFFFFFFF;
	(pc) =	sbr.abs _section_cstart, $3  }
0xbf: {  	[dreg:$0x1] =	wrdreg $0xFFFFFFFF  }
0xc0: {  	_ =	task.clear_ibuf [dreg:s6], $0x2FFFF;
	_ =	strace $0x9FFFFFFF  }
0xc1: {  	(tm) =	ssettm $0x7FFFFFFF  }
tec
execute0_lowered:
.L_overlay_start_1:
0x0: {  	(tag) =	ssettag $0x1  }
0x1: {  	s0 =	rddreg [dreg:$0x0];
	s1 =	srdreg.scid;
	s2 =	simm.s32 $0x0  }
0x2: {  	s3 =	stileid.u32;
	s10 =	simm.s32 $0x880;
	s11 =	simm.s32 $0x1080  }
0x3: {  	s12 =	simm.s32 $0x1880;
	s13 =	simm.s32 $0x2080;
	s14 =	simm.s32 $0x2880  }
0x4: {  	s15 =	simm.s32 $0x3080;
	s16 =	simm.s32 $0x3880;
	s17 =	simm.s32 $0x4080  }
0x5: {  	s18 =	simm.s32 $0x4880;
	s19 =	simm.s32 $0x5080;
	s20 =	simm.s32 $0x5880  }
0x6: {  	s21 =	simm.s32 $0x6080;
	s22 =	simm.s32 $0x6880;
	s23 =	simm.s32 $0x7080  }
0x7: {  	s24 =	simm.s32 $0x7880;
	s25 =	simm.s32 $0x8080;
	s28 =	simm.s32 $0x9080  }
0x8: {  	s29 =	simm.s32 $0x9880;
	s30 =	simm.s32 $0xA080;
	s31 =	simm.s32 $0xA880  }
0x9: {  	s1 =	sand.u32 $0x1, s1;
	[smem:$0x7FF] =	sst s2;
	s3 =	sshll.u32 s3, $0x5  }
0xa: {  	s5 =	sadd.s32 $0x137600, s0;
	s6 =	sadd.s32 $0x400, s0;
	s4 =	sshll.u32 s1, $0x4  }
0xb: {  	_ =	strace $0x8000004A;
	s1 =	ssub.s32 $0x2, s1;
	s4 =	sor.u32 s4, s3  }
0xc: {  	s3 =	sadd.s32 $0x137800, s0;
	s9 =	sshrl.u32 s1, $0x1;
	s7 =	smul.u32 $0x300, s4  }
0xd: {  	s8 =	sadd.s32 s5, s4;
	s4 =	sor.u32 $0x8, s4;
	s1 =	ssub.s32 s1, s9  }
0xe: {  	[dreg:$0x2] =	wrdreg s8;
	s26 =	smul.u32 $0x300, s4;
	s4 =	sadd.s32 s5, s4  }
0xf: {  	s5 =	sadd.s32 $0x137A00, s0;
	s7 =	sadd.s32 s6, s7;
	[dreg:$0x4] =	wrdreg s4  }
0x10: {  	v2 =	vlaneseq.u32;
	s4 =	sadd.s32 $0x137900, s0;
	s0 =	simm.s32 $0x80;
	[dreg:$0x3] =	wrdreg s7  }
0x11: {  	vm0 =	vmmov $0xffff;
	v1 =	vshrl.u32 v2, $0x3;
	s6 =	sadd.s32 s6, s26;
	s7 =	simm.s32 $0x2;
	s26 =	simm.s32 $0x8880  }
0x12: {  	v0 =	vand.u32 $0x7, v2;
	v2 =	vor.u32 $0x8, v2;
	v1 =	vmul.u32 $0x8, v1;
	[dreg:$0x5] =	wrdreg s6;
	s6 =	smax.u32 s1, $0x1;
	s1 =	simm.s32 $0x1  }
.LBB2_1:
0x13: {  	s9 =	rddreg [dreg:$0x2]  }
0x14: {  	[tilespmem:s2], [sflag:$0x2] =	stream.linear.gather [hbm4b:s9+s2], $0x40, $0x38;
	[tilespmem:$0xC080] =	vst v63  }
0x15: {  	_ =	swait.ge [sflag:s7], $0x40  }
0x16: {  	[sflag:s7] =	ssyncset.done $0x0  }
0x17: {  	[sflag:s7] =	ssyncadd.s32 $0xFFFFFFC0  }
0x18: {  	v3 =	vld [tilespmem:$0x0];
	_ =	sdelay $0x4  }
0x19: {  	v4 =	vshrl.u32 v3, $0x3  }
0x1a: {  	v4 =	vmul.u32 $0x30, v4  }
0x1b: {  	v3 =	vand.u32 $0x7, v3  }
0x1c: {  	v3 =	vor.u32 v3, v4  }
0x1d: {  	v4 =	vperm.xlane v3, v0;
	_ =	sdelay $0x1  }
0x1e: {  	v4 =	vadd.s32 v1, v4;
	_ =	sdelay $0x3  }
0x1f: {  	v3 =	vperm.xlane v3, v2  }
0x20: {  	[tilespmem:s0], [sflag:$0x1] =	stream.indirect_vreg.gather [hbm4b:s3+s2], $0x80, v4, vm0, $0xb8;
	[tilespmem:$0xC080] =	vst v63  }
0x21: {  	v3 =	vadd.s32 v1, v3  }
0x22: {  	[tilespmem:s10], [sflag:$0x1] =	stream.indirect_vreg.gather [hbm4b:s4+s2], $0x80, v4, vm0, $0xb8;
	[tilespmem:$0xC080] =	vst v63  }
0x23: {  	_ = 	snop  }
0x24: {  	[tilespmem:s11], [sflag:$0x1] =	stream.indirect_vreg.gather [hbm4b:s5+s2], $0x80, v4, vm0, $0xb8;
	[tilespmem:$0xC080] =	vst v63  }
0x25: {  	_ = 	snop  }
0x26: {  	[tilespmem:s12], [sflag:$0x1] =	stream.indirect_vreg.gather [hbm4b:s3+s2], $0x80, v3, vm0, $0xb8;
	[tilespmem:$0xC080] =	vst v63  }
0x27: {  	_ = 	snop  }
0x28: {  	[tilespmem:s13], [sflag:$0x1] =	stream.indirect_vreg.gather [hbm4b:s4+s2], $0x80, v3, vm0, $0xb8;
	[tilespmem:$0xC080] =	vst v63  }
0x29: {  	_ = 	snop  }
0x2a: {  	[tilespmem:s14], [sflag:$0x1] =	stream.indirect_vreg.gather [hbm4b:s5+s2], $0x80, v3, vm0, $0xb8;
	[tilespmem:$0xC080] =	vst v63  }
0x2b: {  	v3 =	vld [tilespmem:$0x10];
	_ =	sdelay $0x4  }
0x2c: {  	v57 =	vshrl.u32 v3, $0x3  }
0x2d: {  	v4 =	vmul.u32 $0x30, v57  }
0x2e: {  	v3 =	vand.u32 $0x7, v3  }
0x2f: {  	v3 =	vor.u32 v3, v4  }
0x30: {  	v4 =	vperm.xlane v3, v0;
	_ =	sdelay $0x1  }
0x31: {  	v4 =	vadd.s32 v1, v4;
	_ =	sdelay $0x3  }
0x32: {  	v3 =	vperm.xlane v3, v2  }
0x33: {  	[tilespmem:s15], [sflag:$0x1] =	stream.indirect_vreg.gather [hbm4b:s3+s2], $0x80, v4, vm0, $0xb8;
	[tilespmem:$0xC080] =	vst v63  }
0x34: {  	v3 =	vadd.s32 v1, v3  }
0x35: {  	[tilespmem:s16], [sflag:$0x1] =	stream.indirect_vreg.gather [hbm4b:s4+s2], $0x80, v4, vm0, $0xb8;
	[tilespmem:$0xC080] =	vst v63  }
0x36: {  	_ = 	snop  }
0x37: {  	[tilespmem:s17], [sflag:$0x1] =	stream.indirect_vreg.gather [hbm4b:s5+s2], $0x80, v4, vm0, $0xb8;
	[tilespmem:$0xC080] =	vst v63  }
0x38: {  	_ = 	snop  }
0x39: {  	[tilespmem:s18], [sflag:$0x1] =	stream.indirect_vreg.gather [hbm4b:s3+s2], $0x80, v3, vm0, $0xb8;
	[tilespmem:$0xC080] =	vst v63  }
0x3a: {  	_ = 	snop  }
0x3b: {  	[tilespmem:s19], [sflag:$0x1] =	stream.indirect_vreg.gather [hbm4b:s4+s2], $0x80, v3, vm0, $0xb8;
	[tilespmem:$0xC080] =	vst v63  }
0x3c: {  	_ = 	snop  }
0x3d: {  	[tilespmem:s20], [sflag:$0x1] =	stream.indirect_vreg.gather [hbm4b:s5+s2], $0x80, v3, vm0, $0xb8;
	[tilespmem:$0xC080] =	vst v63  }
0x3e: {  	v3 =	vld [tilespmem:$0x20];
	_ =	sdelay $0x4  }
0x3f: {  	v58 =	vshrl.u32 v3, $0x3  }
0x40: {  	v4 =	vmul.u32 $0x30, v58  }
0x41: {  	v3 =	vand.u32 $0x7, v3  }
0x42: {  	v3 =	vor.u32 v3, v4  }
0x43: {  	v4 =	vperm.xlane v3, v0;
	_ =	sdelay $0x1  }
0x44: {  	v4 =	vadd.s32 v1, v4;
	_ =	sdelay $0x3  }
0x45: {  	v3 =	vperm.xlane v3, v2  }
0x46: {  	[tilespmem:s21], [sflag:$0x1] =	stream.indirect_vreg.gather [hbm4b:s3+s2], $0x80, v4, vm0, $0xb8;
	[tilespmem:$0xC080] =	vst v63  }
0x47: {  	v3 =	vadd.s32 v1, v3  }
0x48: {  	[tilespmem:s22], [sflag:$0x1] =	stream.indirect_vreg.gather [hbm4b:s4+s2], $0x80, v4, vm0, $0xb8;
	[tilespmem:$0xC080] =	vst v63  }
0x49: {  	_ = 	snop  }
0x4a: {  	[tilespmem:s23], [sflag:$0x1] =	stream.indirect_vreg.gather [hbm4b:s5+s2], $0x80, v4, vm0, $0xb8;
	[tilespmem:$0xC080] =	vst v63  }
0x4b: {  	_ = 	snop  }
0x4c: {  	[tilespmem:s24], [sflag:$0x1] =	stream.indirect_vreg.gather [hbm4b:s3+s2], $0x80, v3, vm0, $0xb8;
	[tilespmem:$0xC080] =	vst v63  }
0x4d: {  	_ = 	snop  }
0x4e: {  	[tilespmem:s25], [sflag:$0x1] =	stream.indirect_vreg.gather [hbm4b:s4+s2], $0x80, v3, vm0, $0xb8;
	[tilespmem:$0xC080] =	vst v63  }
0x4f: {  	_ = 	snop  }
0x50: {  	[tilespmem:s26], [sflag:$0x1] =	stream.indirect_vreg.gather [hbm4b:s5+s2], $0x80, v3, vm0, $0xb8;
	[tilespmem:$0xC080] =	vst v63  }
0x51: {  	v3 =	vld [tilespmem:$0x30];
	_ =	sdelay $0x4  }
0x52: {  	v59 =	vshrl.u32 v3, $0x3  }
0x53: {  	v4 =	vmul.u32 $0x30, v59  }
0x54: {  	v3 =	vand.u32 $0x7, v3  }
0x55: {  	v3 =	vor.u32 v3, v4  }
0x56: {  	v4 =	vperm.xlane v3, v0;
	_ =	sdelay $0x1  }
0x57: {  	v4 =	vadd.s32 v1, v4;
	_ =	sdelay $0x3  }
0x58: {  	v3 =	vperm.xlane v3, v2  }
0x59: {  	[tilespmem:s28], [sflag:$0x1] =	stream.indirect_vreg.gather [hbm4b:s3+s2], $0x80, v4, vm0, $0xb8;
	[tilespmem:$0xC080] =	vst v63  }
0x5a: {  	v3 =	vadd.s32 v1, v3  }
0x5b: {  	[tilespmem:s29], [sflag:$0x1] =	stream.indirect_vreg.gather [hbm4b:s4+s2], $0x80, v4, vm0, $0xb8;
	[tilespmem:$0xC080] =	vst v63  }
0x5c: {  	_ = 	snop  }
0x5d: {  	[tilespmem:s30], [sflag:$0x1] =	stream.indirect_vreg.gather [hbm4b:s5+s2], $0x80, v4, vm0, $0xb8;
	[tilespmem:$0xC080] =	vst v63  }
0x5e: {  	_ = 	snop  }
0x5f: {  	[tilespmem:s31], [sflag:$0x1] =	stream.indirect_vreg.gather [hbm4b:s3+s2], $0x80, v3, vm0, $0xb8;
	[tilespmem:$0xC080] =	vst v63  }
0x60: {  	s8 =	simm.s32 $0xB080  }
0x61: {  	[tilespmem:s8], [sflag:$0x1] =	stream.indirect_vreg.gather [hbm4b:s4+s2], $0x80, v3, vm0, $0xb8;
	[tilespmem:$0xC080] =	vst v63  }
0x62: {  	s8 =	simm.s32 $0xB880  }
0x63: {  	[tilespmem:s8], [sflag:$0x1] =	stream.indirect_vreg.gather [hbm4b:s5+s2], $0x80, v3, vm0, $0xb8;
	[tilespmem:$0xC080] =	vst v63  }
0x64: {  	_ =	swait.ge [sflag:s1], $0xC000  }
0x65: {  	[sflag:s1] =	ssyncset.done $0x0  }
0x66: {  	s9 =	rddreg [dreg:$0x3];
	[sflag:s1] =	ssyncadd.s32 $0xFFFF4000  }
0x67: {  	[hbm4b:s9+s2] =	stream.linear.scatter [tilespmem:s0], [sflag:$0x2], $0xC000, $0x38;
	[tilespmem:$0xC080] =	vst v63  }
0x68: {  	_ =	swait.ge [sflag:s7], $0xC000  }
0x69: {  	[sflag:s7] =	ssyncset.done $0x0  }
0x6a: {  	s9 =	rddreg [dreg:$0x4];
	[sflag:s7] =	ssyncadd.s32 $0xFFFF4000  }
0x6b: {  	[tilespmem:s2], [sflag:$0x2] =	stream.linear.gather [hbm4b:s9+s2], $0x40, $0x38;
	[tilespmem:$0xC080] =	vst v63  }
0x6c: {  	_ =	swait.ge [sflag:s7], $0x40  }
0x6d: {  	[sflag:s7] =	ssyncset.done $0x0  }
0x6e: {  	[sflag:s7] =	ssyncadd.s32 $0xFFFFFFC0  }
0x6f: {  	v3 =	vld [tilespmem:$0x0];
	_ =	sdelay $0x4  }
0x70: {  	v60 =	vshrl.u32 v3, $0x3  }
0x71: {  	v4 =	vmul.u32 $0x30, v60  }
0x72: {  	v3 =	vand.u32 $0x7, v3  }
0x73: {  	v3 =	vor.u32 v3, v4  }
0x74: {  	v4 =	vperm.xlane v3, v0;
	_ =	sdelay $0x1  }
0x75: {  	v4 =	vadd.s32 v1, v4;
	_ =	sdelay $0x3  }
0x76: {  	v3 =	vperm.xlane v3, v2  }
0x77: {  	[tilespmem:s0], [sflag:$0x1] =	stream.indirect_vreg.gather [hbm4b:s3+s2], $0x80, v4, vm0, $0xb8;
	[tilespmem:$0xC080] =	vst v63  }
0x78: {  	v3 =	vadd.s32 v1, v3  }
0x79: {  	[tilespmem:s10], [sflag:$0x1] =	stream.indirect_vreg.gather [hbm4b:s4+s2], $0x80, v4, vm0, $0xb8;
	[tilespmem:$0xC080] =	vst v63  }
0x7a: {  	_ = 	snop  }
0x7b: {  	[tilespmem:s11], [sflag:$0x1] =	stream.indirect_vreg.gather [hbm4b:s5+s2], $0x80, v4, vm0, $0xb8;
	[tilespmem:$0xC080] =	vst v63  }
0x7c: {  	_ = 	snop  }
0x7d: {  	[tilespmem:s12], [sflag:$0x1] =	stream.indirect_vreg.gather [hbm4b:s3+s2], $0x80, v3, vm0, $0xb8;
	[tilespmem:$0xC080] =	vst v63  }
0x7e: {  	_ = 	snop  }
0x7f: {  	[tilespmem:s13], [sflag:$0x1] =	stream.indirect_vreg.gather [hbm4b:s4+s2], $0x80, v3, vm0, $0xb8;
	[tilespmem:$0xC080] =	vst v63  }
0x80: {  	_ = 	snop  }
0x81: {  	[tilespmem:s14], [sflag:$0x1] =	stream.indirect_vreg.gather [hbm4b:s5+s2], $0x80, v3, vm0, $0xb8;
	[tilespmem:$0xC080] =	vst v63  }
0x82: {  	v3 =	vld [tilespmem:$0x10];
	_ =	sdelay $0x4  }
0x83: {  	v61 =	vshrl.u32 v3, $0x3  }
0x84: {  	v4 =	vmul.u32 $0x30, v61  }
0x85: {  	v3 =	vand.u32 $0x7, v3  }
0x86: {  	v3 =	vor.u32 v3, v4  }
0x87: {  	v4 =	vperm.xlane v3, v0;
	_ =	sdelay $0x1  }
0x88: {  	v4 =	vadd.s32 v1, v4;
	_ =	sdelay $0x3  }
0x89: {  	v3 =	vperm.xlane v3, v2  }
0x8a: {  	[tilespmem:s15], [sflag:$0x1] =	stream.indirect_vreg.gather [hbm4b:s3+s2], $0x80, v4, vm0, $0xb8;
	[tilespmem:$0xC080] =	vst v63  }
0x8b: {  	v3 =	vadd.s32 v1, v3  }
0x8c: {  	[tilespmem:s16], [sflag:$0x1] =	stream.indirect_vreg.gather [hbm4b:s4+s2], $0x80, v4, vm0, $0xb8;
	[tilespmem:$0xC080] =	vst v63  }
0x8d: {  	_ = 	snop  }
0x8e: {  	[tilespmem:s17], [sflag:$0x1] =	stream.indirect_vreg.gather [hbm4b:s5+s2], $0x80, v4, vm0, $0xb8;
	[tilespmem:$0xC080] =	vst v63  }
0x8f: {  	_ = 	snop  }
0x90: {  	[tilespmem:s18], [sflag:$0x1] =	stream.indirect_vreg.gather [hbm4b:s3+s2], $0x80, v3, vm0, $0xb8;
	[tilespmem:$0xC080] =	vst v63  }
0x91: {  	_ = 	snop  }
0x92: {  	[tilespmem:s19], [sflag:$0x1] =	stream.indirect_vreg.gather [hbm4b:s4+s2], $0x80, v3, vm0, $0xb8;
	[tilespmem:$0xC080] =	vst v63  }
0x93: {  	_ = 	snop  }
0x94: {  	[tilespmem:s20], [sflag:$0x1] =	stream.indirect_vreg.gather [hbm4b:s5+s2], $0x80, v3, vm0, $0xb8;
	[tilespmem:$0xC080] =	vst v63  }
0x95: {  	v3 =	vld [tilespmem:$0x20];
	_ =	sdelay $0x4  }
0x96: {  	v62 =	vshrl.u32 v3, $0x3  }
0x97: {  	v4 =	vmul.u32 $0x30, v62  }
0x98: {  	v3 =	vand.u32 $0x7, v3  }
0x99: {  	v3 =	vor.u32 v3, v4  }
0x9a: {  	v4 =	vperm.xlane v3, v0;
	_ =	sdelay $0x1  }
0x9b: {  	v4 =	vadd.s32 v1, v4;
	_ =	sdelay $0x3  }
0x9c: {  	v3 =	vperm.xlane v3, v2  }
0x9d: {  	[tilespmem:s21], [sflag:$0x1] =	stream.indirect_vreg.gather [hbm4b:s3+s2], $0x80, v4, vm0, $0xb8;
	[tilespmem:$0xC080] =	vst v63  }
0x9e: {  	v3 =	vadd.s32 v1, v3  }
0x9f: {  	[tilespmem:s22], [sflag:$0x1] =	stream.indirect_vreg.gather [hbm4b:s4+s2], $0x80, v4, vm0, $0xb8;
	[tilespmem:$0xC080] =	vst v63  }
0xa0: {  	_ = 	snop  }
0xa1: {  	[tilespmem:s23], [sflag:$0x1] =	stream.indirect_vreg.gather [hbm4b:s5+s2], $0x80, v4, vm0, $0xb8;
	[tilespmem:$0xC080] =	vst v63  }
0xa2: {  	_ = 	snop  }
0xa3: {  	[tilespmem:s24], [sflag:$0x1] =	stream.indirect_vreg.gather [hbm4b:s3+s2], $0x80, v3, vm0, $0xb8;
	[tilespmem:$0xC080] =	vst v63  }
0xa4: {  	_ = 	snop  }
0xa5: {  	[tilespmem:s25], [sflag:$0x1] =	stream.indirect_vreg.gather [hbm4b:s4+s2], $0x80, v3, vm0, $0xb8;
	[tilespmem:$0xC080] =	vst v63  }
0xa6: {  	_ = 	snop  }
0xa7: {  	[tilespmem:s26], [sflag:$0x1] =	stream.indirect_vreg.gather [hbm4b:s5+s2], $0x80, v3, vm0, $0xb8;
	[tilespmem:$0xC080] =	vst v63  }
0xa8: {  	v3 =	vld [tilespmem:$0x30];
	_ =	sdelay $0x4  }
0xa9: {  	v63 =	vshrl.u32 v3, $0x3  }
0xaa: {  	v4 =	vmul.u32 $0x30, v63  }
0xab: {  	v3 =	vand.u32 $0x7, v3  }
0xac: {  	v3 =	vor.u32 v3, v4  }
0xad: {  	v4 =	vperm.xlane v3, v0;
	_ =	sdelay $0x1  }
0xae: {  	v4 =	vadd.s32 v1, v4;
	_ =	sdelay $0x3  }
0xaf: {  	v3 =	vperm.xlane v3, v2  }
0xb0: {  	[tilespmem:s28], [sflag:$0x1] =	stream.indirect_vreg.gather [hbm4b:s3+s2], $0x80, v4, vm0, $0xb8;
	[tilespmem:$0xC080] =	vst v63  }
0xb1: {  	v3 =	vadd.s32 v1, v3  }
0xb2: {  	[tilespmem:s29], [sflag:$0x1] =	stream.indirect_vreg.gather [hbm4b:s4+s2], $0x80, v4, vm0, $0xb8;
	[tilespmem:$0xC080] =	vst v63  }
0xb3: {  	_ = 	snop  }
0xb4: {  	[tilespmem:s30], [sflag:$0x1] =	stream.indirect_vreg.gather [hbm4b:s5+s2], $0x80, v4, vm0, $0xb8;
	[tilespmem:$0xC080] =	vst v63  }
0xb5: {  	_ = 	snop  }
0xb6: {  	[tilespmem:s31], [sflag:$0x1] =	stream.indirect_vreg.gather [hbm4b:s3+s2], $0x80, v3, vm0, $0xb8;
	[tilespmem:$0xC080] =	vst v63  }
0xb7: {  	s9 =	simm.s32 $0xB080  }
0xb8: {  	[tilespmem:s9], [sflag:$0x1] =	stream.indirect_vreg.gather [hbm4b:s4+s2], $0x80, v3, vm0, $0xb8;
	[tilespmem:$0xC080] =	vst v63  }
0xb9: {  	_ = 	snop  }
0xba: {  	[tilespmem:s8], [sflag:$0x1] =	stream.indirect_vreg.gather [hbm4b:s5+s2], $0x80, v3, vm0, $0xb8;
	[tilespmem:$0xC080] =	vst v63  }
0xbb: {  	_ =	swait.ge [sflag:s1], $0xC000  }
0xbc: {  	p0 =	sne.s32 s6, $0x1;
	[sflag:s1] =	ssyncset.done $0x0  }
.Ltmp0:
0xbd: {  	s8 =	rddreg [dreg:$0x5];
	[sflag:s1] =	ssyncadd.s32 $0xFFFF4000;
	(pc) =	sbr.rel @p0 .LBB2_1-.Ltmp0, $4  }
0xbe: {  	[hbm4b:s8+s2] =	stream.linear.scatter [tilespmem:s0], [sflag:$0x2], $0xC000, $0x38;
	[tilespmem:$0xC080] =	vst v63  }
0xbf: {  	_ =	swait.ge [sflag:s7], $0xC000  }
0xc0: {  	[sflag:s7] =	ssyncset.done $0x0  }
0xc1: {  	s6 =	sadd.s32 $0xFFFFFFFF, s6;
	[sflag:s7] =	ssyncadd.s32 $0xFFFF4000  }
0xc2: {  	_ =	sfence.sel $0x180000  }
0xc3: {  	[bflag:$0x0] =	sbarrier.arrive $0xFFFF  }
0xc4: {  	_ =	strace $0x9000004A  }
0xc5: {  	s0 =	stileid.u32;
	[bflag:$0x2] =	sbarrier.arrive $0xFFFF  }
0xc6: {  	p0 =	sne.s32 s0, $0x0;
	s0 =	rddreg [dreg:$0x1]  }
0xc7: {  	s0 =	sadd.s32 @!p0 $0x100000, s0  }
0xc8: {  	[sflag:s0] =	ssyncadd.tile.s32 @!p0 $0x1;
	_ =	shalt  }
.Lfunc_end2:
_tile_overlayer_lowered:
.L_overlay_start_2:
0xc9: {  	(tag) =	ssettag $0x2  }
0xca: {  	s0 =	rddreg [dreg:$0x0];
	s2 =	stileid.u32  }
0xcb: {  	s1 =	rddreg [dreg:$0x1];
	p0 =	sne.s32 s2, $0x0  }
0xcc: {  	s3 =	rddreg [dreg:$0x2];
	[bflag:$0x3] =	sbarrier.arrive $0xFFFF;
	s2 =	simm.s32 @!p0 $0x1C02  }
0xcd: {  	[timem:s3], [sflag:s2] =	dma.local @!p0 [hbm:s0], s1  }
0xce: {  	s0 =	simm.s32 @!p0 $0x2  }
0xcf: {  	_ =	swait.ge @!p0 [sflag:s0], s1  }
0xd0: {  	s1 =	ssub.s32 @!p0 $0x0, s1;
	[sflag:s0] =	ssyncset.done @!p0 $0x0  }
0xd1: {  	[sflag:s0] =	ssyncadd.s32 @!p0 s1  }
0xd2: {  	[bflag:$0x3] =	sbarrier.arrive $0xFFFF  }
0xd3: {  	_ =	shalt  }

// kernel: kernel.7.cloned.1.call-start
scs
__scs_entry_jumppad:
0x0: {  	(pc) =	sbr.rel $0x88, $3  }
0x1: {  	(tag) =	ssettag $0x0;
	lr =	simm.s32 $0x1  }
0x2: {  	[smem:$0x3F9C] =	sst lr;
	_ =	strace $0xD0000000  }
0x3: {  	_ = 	snop  }
0x4: {  	_ = 	snop  }
0x5: {  	_ = 	snop  }
0x6: {  	_ = 	snop  }
0x7: {  	_ = 	snop  }
__scs_overlays_trampoline_lowered:
0x8: {  	[smem:$0x3FAB] =	sst s0  }
0x9: {  	[smem:$0x3FAC] =	sst s1  }
0xa: {  	[smem:$0x3FAD] =	sst s2  }
0xb: {  	[smem:$0x3FAE] =	sst s3  }
0xc: {  	[smem:$0x3FAF] =	sst s4  }
0xd: {  	[smem:$0x3FB0] =	sst s5  }
0xe: {  	[smem:$0x3FB1] =	sst s6  }
0xf: {  	[smem:$0x3FB2] =	sst s7  }
0x10: {  	[smem:$0x3FB3] =	sst s8  }
0x11: {  	[smem:$0x3FB4] =	sst s9;
	s0 =	simm.s32 @!p0 $0x0  }
0x12: {  	s1 =	sld [smem:$0x3F9A];
	s0 =	simm.s32 @p0 $0x1  }
0x13: {  	[smem:$0x3FB5] =	sst s0;
	s0 =	simm.s32 @!p1 $0x0  }
0x14: {  	s2 =	sld [smem:$0x3F99];
	s0 =	simm.s32 @p1 $0x1  }
0x15: {  	[smem:$0x3FB6] =	sst s0;
	s0 =	simm.s32 @!p2 $0x0  }
0x16: {  	s3 =	sld [smem:$0x3FDB];
	s0 =	simm.s32 @p2 $0x1  }
0x17: {  	s4 =	simm.s32 $0x1BF5;
	[smem:$0x3FB8] =	sst s0  }
0x18: {  	s0 =	sld [smem:$0x3F9B];
	_ =	swait.ge [sflag:s4], $0x0  }
0x19: {  	s7 =	sld [smem:$0x3F9C]  }
0x1a: {  	s8 =	sadd.s32 $0xFFFFE003, lr  }
0x1b: {  	s9 =	sadd.s32 $0xFFFFFEF7, lr;
	s5 =	simm.s32 $0xFFFFFFFF;
	p2 =	slt.u32 s8, $0xFFFFF086  }
0x1c: {  	p1 =	slt.u32 s9, $0xF7A;
	s5 =	simm.s32 @!p2 $0x0  }
0x1d: {  	s5 =	simm.s32 @p1 $0x1;
	p0 =	seq.s32 s7, s2  }
0x1e: {  	s7 =	smul.u32 @!p0 $0xF7A, s2;
	p2 =	seq.s32 @!p0 s5, $0x0  }
0x1f: {  	s9 =	smul.u32 $0xF7A, s1;
	s8 =	simm.s32 @!p0 $0x1BF5;
	p2 =	por !p2, p0  }
0x20: {  	[sflag:s8] =	ssyncset.s32 @!p0 $0xFFFFF086;
	s6 =	sadd.s32 @!p0 s3, s7;
	s7 =	simm.s32 @!p0 $0x108  }
0x21: {  	s3 =	sadd.s32 s3, s9;
	s6 =	sadd.s32 @!p0 $0x88, s6;
	s7 =	simm.s32 @p2 $0x1082  }
0x22: {  	[simem:s7], [sflag:s8] =	dma.local @!p0 [hbm:s6], $0xF7A  }
0x23: {  	s9 =	sor.u32 $0xD0000000, s2;
	s6 =	simm.s32 $0x108;
	_ =	swait.ge @!p0 [sflag:s8], $0x0  }
0x24: {  	s3 =	sadd.s32 $0x88, s3;
	s6 =	simm.s32 @!p1 $0x1082;
	[sflag:s4] =	ssyncset.s32 $0xFFFFF086  }
0x25: {  	[simem:s6], [sflag:s4] =	dma.local [hbm:s3], $0xF7A  }
0x26: {  	[smem:$0x3F9C] =	sst s1;
	(tag) =	ssettag s2;
	_ =	strace s9  }
0x27: {  	s1 =	sld [smem:$0x3FAC]  }
0x28: {  	s2 =	sld [smem:$0x3FAD]  }
0x29: {  	s4 =	sld [smem:$0x3FAF]  }
0x2a: {  	p0 =	seq.s32 s5, $0x0;
	s5 =	sld [smem:$0x3FB0]  }
0x2b: {  	s6 =	sld [smem:$0x3FB1]  }
0x2c: {  	s7 =	sld [smem:$0x3FB2]  }
0x2d: {  	s3 =	simm.s32 $0x108;
	s8 =	sld [smem:$0x3FB3]  }
0x2e: {  	s3 =	simm.s32 @!p0 $0x1082;
	s9 =	sld [smem:$0x3FB4]  }
0x2f: {  	lr =	sadd.s32 s0, s3;
	s0 =	sld [smem:$0x3FAB]  }
0x30: {  	s3 =	sld [smem:$0x3FAE]  }
0x31: {  	[smem:$0x3FB7] =	sst s10  }
0x32: {  	s10 =	sld [smem:$0x3FB5];
	_ =	sdelay $0x3  }
0x33: {  	p0 =	seq.s32 s10, $0x1;
	s10 =	sld [smem:$0x3FB7];
	_ =	sdelay $0x3  }
0x34: {  	[smem:$0x3FB7] =	sst s10  }
0x35: {  	s10 =	sld [smem:$0x3FB6];
	_ =	sdelay $0x3  }
0x36: {  	p1 =	seq.s32 s10, $0x1;
	s10 =	sld [smem:$0x3FB7];
	_ =	sdelay $0x3  }
0x37: {  	[smem:$0x3FB7] =	sst s10  }
0x38: {  	s10 =	sld [smem:$0x3FB8]  }
0x39: {  	_ = 	snop;
	(pc) =	sbr.ind lr, $3  }
0x3a: {  	_ = 	snop  }
0x3b: {  	_ = 	snop  }
0x3c: {  	p2 =	seq.s32 s10, $0x1;
	s10 =	sld [smem:$0x3FB7]  }
0x3d: {  	_ =	shalt  }
0x3e: {  	_ =	shalt  }
0x3f: {  	_ =	shalt  }
0x40: {  	_ =	shalt  }
0x41: {  	_ =	shalt  }
0x42: {  	_ =	shalt  }
0x43: {  	_ =	shalt  }
0x44: {  	_ =	shalt  }
0x45: {  	_ =	shalt  }
0x46: {  	_ =	shalt  }
0x47: {  	_ =	shalt  }
0x48: {  	_ =	shalt  }
0x49: {  	_ =	shalt  }
0x4a: {  	_ =	shalt  }
0x4b: {  	_ =	shalt  }
0x4c: {  	_ =	shalt  }
0x4d: {  	_ =	shalt  }
0x4e: {  	_ =	shalt  }
0x4f: {  	_ =	shalt  }
0x50: {  	_ =	shalt  }
0x51: {  	_ =	shalt  }
0x52: {  	_ =	shalt  }
0x53: {  	_ =	shalt  }
0x54: {  	_ =	shalt  }
0x55: {  	_ =	shalt  }
0x56: {  	_ =	shalt  }
0x57: {  	_ =	shalt  }
0x58: {  	_ =	shalt  }
0x59: {  	_ =	shalt  }
0x5a: {  	_ =	shalt  }
0x5b: {  	_ =	shalt  }
0x5c: {  	_ =	shalt  }
0x5d: {  	_ =	shalt  }
0x5e: {  	_ =	shalt  }
0x5f: {  	_ =	shalt  }
0x60: {  	_ =	shalt  }
0x61: {  	_ =	shalt  }
0x62: {  	_ =	shalt  }
0x63: {  	_ =	shalt  }
0x64: {  	_ =	shalt  }
0x65: {  	_ =	shalt  }
0x66: {  	_ =	shalt  }
0x67: {  	_ =	shalt  }
0x68: {  	_ =	shalt  }
0x69: {  	_ =	shalt  }
0x6a: {  	_ =	shalt  }
0x6b: {  	_ =	shalt  }
0x6c: {  	_ =	shalt  }
0x6d: {  	_ =	shalt  }
0x6e: {  	_ =	shalt  }
0x6f: {  	_ =	shalt  }
0x70: {  	_ =	shalt  }
0x71: {  	_ =	shalt  }
0x72: {  	_ =	shalt  }
0x73: {  	_ =	shalt  }
0x74: {  	_ =	shalt  }
0x75: {  	_ =	shalt  }
0x76: {  	_ =	shalt  }
0x77: {  	_ =	shalt  }
0x78: {  	_ =	shalt  }
0x79: {  	_ =	shalt  }
0x7a: {  	_ =	shalt  }
0x7b: {  	_ =	shalt  }
0x7c: {  	_ =	shalt  }
0x7d: {  	_ =	shalt  }
0x7e: {  	_ =	shalt  }
0x7f: {  	_ =	shalt  }
0x80: {  	_ =	shalt  }
0x81: {  	_ =	shalt  }
0x82: {  	_ =	shalt  }
0x83: {  	_ =	shalt  }
0x84: {  	_ =	shalt  }
0x85: {  	_ =	shalt  }
0x86: {  	_ =	shalt  }
0x87: {  	_ =	shalt  }
.Lfunc_end0:
.L_simem_size_0:
called_computation_lowered:
.L_overlay_start_0:
0x88: {  	s2 =	sld [smem:$0x3FD9]  }
0x89: {  	s3 =	sld [smem:$0x3FFE];
	_ =	sdelay $0x1  }
0x8a: {  	s1 =	srdreg.scid  }
0x8b: {  	s0 =	sand.u32 $0x1, s1  }
0x8c: {  	s17 =	sshll.u32 s0, $0xA;
	s2 =	sadd.s32 s3, s2  }
0x8d: {  	s2 =	sadd.s32 s2, s17  }
0x8e: {  	[smem:$0x3FC3] =	sst s2  }
0x8f: {  	_ = 	snop  }
0x90: {  	s2 =	sld [smem:$0x3FC9];
	(tm) =	ssettm $0x1  }
0x91: {  	s18 =	sld [smem:$0x3FFB];
	_ =	sdelay $0x3  }
0x92: {  	_ =	strace s18  }
0x93: {  	s3 =	sld [smem:$0x3FFC];
	_ =	sdelay $0x3  }
0x94: {  	_ =	strace s3  }
0x95: {  	s3 =	sld [smem:$0x3FFD];
	_ =	sdelay $0x3  }
0x96: {  	_ =	strace s3  }
0x97: {  	_ =	strace $0x8FFFFFFF  }
0x98: {  	s19 =	sld [smem:$0x3FDB];
	_ =	sdelay $0x1  }
0x99: {  	s4 =	simm.s32 $_scs_section_size  }
0x9a: {  	s5 =	simm.s32 $_size__tile_overlayer_lowered;
	s6 =	simm.s32 $_tile_overlayer_lowered  }
0x9b: {  	s22 =	simm.s32 $0x1BFF;
	s21 =	sshll.u32 s6, $0x1;
	s3 =	sadd.s32 s4, s19  }
0x9c: {  	s7 =	simm.s32 $0x0;
	s20 =	sshll.u32 s5, $0x1;
	s5 =	sadd.s32 s21, s3  }
0x9d: {  	[timem:s7], [sflag:s22] =	dma.local [hbm:s5], s20  }
0x9e: {  	_ =	swait.ge [sflag:s22], s20  }
0x9f: {  	s4 =	ssub.s32 $0x0, s20;
	[sflag:s22] =	ssyncset.done $0x0  }
0xa0: {  	[sflag:s22] =	ssyncadd.s32 s4;
	_ =	sdelay $0x1  }
0xa1: {  	s23 =	simm.s32 $0x1B8B  }
0xa2: {  	_ =	swait.ge [sflag:s23], $0x1  }
0xa3: {  	[sflag:s23] =	ssyncset.done $0x0  }
0xa4: {  	s25 =	simm.s32 $0x1B8E;
	s24 =	sld [smem:$0x3FFE];
	[sflag:s23] =	ssyncadd.s32 $0xFFFFFFFF  }
0xa5: {  	s26 =	simm.s32 $execute0_lowered;
	[smem:$0x3FD2] =	sst s25  }
0xa6: {  	s5 =	sshll.u32 s26, $0x1;
	_ =	strace $0x80000046;
	[dreg:$0x1] =	wrdreg $0xFFFFFFFF  }
0xa7: {  	s28 =	simm.s32 $_size_execute0_lowered;
	s3 =	sadd.s32 s3, s5;
	[dreg:$0x0] =	wrdreg $0x0  }
0xa8: {  	s5 =	sshll.u32 s28, $0x1;
	[dreg:$0x2] =	wrdreg s3  }
0xa9: {  	[dreg:$0x3] =	wrdreg s5  }
0xaa: {  	[dreg:$0x4] =	wrdreg $0xC0  }
0xab: {  	_ =	task [dreg:s7], $0x5FFFF  }
0xac: {  	[dreg:$0x1] =	wrdreg $0xFFFFFFFF  }
0xad: {  	[dreg:$0x0] =	wrdreg $0x60  }
0xae: {  	[dreg:$0x2] =	wrdreg s2  }
0xaf: {  	[dreg:$0x3] =	wrdreg s24  }
0xb0: {  	[dreg:$0x4] =	wrdreg $0x9  }
0xb1: {  	_ =	task.clear_ibuf [dreg:s7], $0x5FFFF;
	_ =	strace $0x90000046  }
0xb2: {  	s29 =	simm.s32 $0x9;
	_ =	strace $0x80000048  }
0xb3: {  	_ =	swait.ge [sflag:s29], $0x1  }
0xb4: {  	[sflag:s29] =	ssyncadd.s32 $0xFFFFFFFF  }
0xb5: {  	_ =	strace $0x90000048  }
0xb6: {  	_ =	sfence  }
0xb7: {  	s30 =	sld [smem:$0x0];
	_ =	sdelay $0x2  }
0xb8: {  	s31 =	sshll.u32 s1, $0xD;
	s1 =	sshrl.u32 s1, $0x2  }
0xb9: {  	s3 =	sand.u32 $0x4000, s31;
	s1 =	sadd.s32 s1, s30  }
0xba: {  	s0 =	sor.u32 s3, s0;
	s1 =	sshll.u32 s1, $0x11  }
0xbb: {  	s0 =	sor.u32 s1, s0  }
0xbc: {  	s0 =	sadd.s32 $0x8F2B, s0  }
0xbd: {  	[sflag:s0] =	ssyncadd.remote.s32 $0x1  }
0xbe: {  	_ =	sfence.sel $0xFFFF  }
0xbf: {  	[dreg:$0x0] =	wrdreg $0xFFFFFFFF;
	(pc) =	sbr.abs _section_cstart, $3  }
0xc0: {  	[dreg:$0x1] =	wrdreg $0xFFFFFFFF  }
0xc1: {  	_ =	task.clear_ibuf [dreg:s7], $0x2FFFF;
	_ =	strace $0x9FFFFFFF  }
0xc2: {  	(tm) =	ssettm $0x7FFFFFFF  }
0xc3: {  	_ =	shalt  }
tec
execute0_lowered:
.L_overlay_start_1:
0x0: {  	(tag) =	ssettag $0x1  }
0x1: {  	s9 =	rddreg [dreg:$0x0]  }
0x2: {  	s7 =	rddreg [dreg:$0x1]  }
0x3: {  	s0 =	rddreg [dreg:$0x2];
	s2 =	simm.s32 $0x0  }
0x4: {  	s3 =	srdreg.scid;
	s1 =	stileid.u32;
	s15 =	simm.s32 $0x880  }
0x5: {  	s16 =	simm.s32 $0x1080;
	s17 =	simm.s32 $0x1880;
	s18 =	simm.s32 $0x2080  }
0x6: {  	s19 =	simm.s32 $0x2880;
	s20 =	simm.s32 $0x3080;
	s21 =	simm.s32 $0x3880  }
0x7: {  	s22 =	simm.s32 $0x4080;
	s23 =	simm.s32 $0x4880;
	s24 =	simm.s32 $0x5080  }
0x8: {  	s25 =	simm.s32 $0x5880;
	s26 =	simm.s32 $0x1;
	[smem:$0x7FF] =	sst s2  }
0x9: {  	s4 =	sand.u32 $0x1, s3;
	s31 =	sshll.u32 s1, $0x1;
	s10 =	sadd.s32 $0xA00, s7  }
0xa: {  	s11 =	sadd.s32 $0x600, s7;
	s3 =	sadd.s32 $0xE00, s7;
	s5 =	sor.u32 s4, s31  }
0xb: {  	_ =	strace $0x80000047;
	s4 =	ssub.s32 $0x2, s4;
	s6 =	smul.u32 $0x1800, s5  }
0xc: {  	s8 =	sshrl.u32 s4, $0x1;
	s12 =	sshll.u32 s5, $0x5;
	s13 =	smul.u32 $0xC000, s5  }
0xd: {  	s14 =	ssub.s32 s4, s8;
	s5 =	sadd.s32 s10, s12;
	s8 =	sadd.s32 s11, s12  }
0xe: {  	s12 =	sor.u32 $0x10, s12;
	s4 =	sadd.s32 s9, s6;
	s6 =	sadd.s32 $0xF00, s7  }
0xf: {  	v2 =	vlaneseq.u32;
	s7 =	sadd.s32 $0x1000, s7;
	s13 =	sshrl.u32 s13, $0x3;
	s10 =	sadd.s32 s10, s12  }
0x10: {  	vm0 =	vmmov $0xffff;
	v1 =	vshrl.u32 v2, $0x3;
	s11 =	sadd.s32 s11, s12;
	s12 =	smax.u32 s14, $0x1;
	s9 =	sadd.s32 s9, s13  }
0x11: {  	v0 =	vand.u32 $0x7, v2;
	v2 =	vor.u32 $0x8, v2;
	v1 =	vmul.u32 $0x8, v1;
	s14 =	simm.s32 $0x2;
	s13 =	simm.s32 $0x80;
	s9 =	sadd.s32 $0xC00, s9  }
.LBB2_1:
0x12: {  	[tilespmem:s13], [sflag:$0x2] =	stream.linear.gather [hbm4b:s4+s2], $0x6000, $0x38;
	[tilespmem:$0x6080] =	vst v63  }
0x13: {  	_ =	swait.ge [sflag:s14], $0x6000  }
0x14: {  	[sflag:s14] =	ssyncset.done $0x0  }
0x15: {  	[sflag:s14] =	ssyncadd.s32 $0xFFFFA000  }
0x16: {  	[tilespmem:s2], [sflag:$0x2] =	stream.linear.gather [hbm4b:s5+s2], $0x80, $0x38;
	[tilespmem:$0x6080] =	vst v63  }
0x17: {  	_ =	swait.ge [sflag:s14], $0x80  }
0x18: {  	[sflag:s14] =	ssyncset.done $0x0  }
0x19: {  	[sflag:s14] =	ssyncadd.s32 $0xFFFFFF80  }
0x1a: {  	v3 =	vld [tilespmem:$0x0];
	_ =	sdelay $0x4  }
0x1b: {  	v4 =	vshrl.u32 v3, $0x3  }
0x1c: {  	v4 =	vmul.u32 $0x30, v4  }
0x1d: {  	v3 =	vand.u32 $0x7, v3  }
0x1e: {  	v3 =	vor.u32 v3, v4  }
0x1f: {  	v4 =	vperm.xlane v3, v0;
	_ =	sdelay $0x1  }
0x20: {  	v4 =	vadd.s32 v1, v4;
	_ =	sdelay $0x3  }
0x21: {  	v3 =	vperm.xlane v3, v2  }
0x22: {  	[hbm4b:s3+s2] =	stream.indirect_vreg.scatter [tilespmem:s13], [sflag:$0x1], $0x80, v4, vm0, $0xb8;
	[tilespmem:$0x6080] =	vst v63  }
0x23: {  	v3 =	vadd.s32 v1, v3  }
0x24: {  	[hbm4b:s6+s2] =	stream.indirect_vreg.scatter [tilespmem:s15], [sflag:$0x1], $0x80, v4, vm0, $0xb8;
	[tilespmem:$0x6080] =	vst v63  }
0x25: {  	_ = 	snop  }
0x26: {  	[hbm4b:s7+s2] =	stream.indirect_vreg.scatter [tilespmem:s16], [sflag:$0x1], $0x80, v4, vm0, $0xb8;
	[tilespmem:$0x6080] =	vst v63  }
0x27: {  	_ = 	snop  }
0x28: {  	[hbm4b:s3+s2] =	stream.indirect_vreg.scatter [tilespmem:s17], [sflag:$0x1], $0x80, v3, vm0, $0xb8;
	[tilespmem:$0x6080] =	vst v63  }
0x29: {  	_ = 	snop  }
0x2a: {  	[hbm4b:s6+s2] =	stream.indirect_vreg.scatter [tilespmem:s18], [sflag:$0x1], $0x80, v3, vm0, $0xb8;
	[tilespmem:$0x6080] =	vst v63  }
0x2b: {  	_ = 	snop  }
0x2c: {  	[hbm4b:s7+s2] =	stream.indirect_vreg.scatter [tilespmem:s19], [sflag:$0x1], $0x80, v3, vm0, $0xb8;
	[tilespmem:$0x6080] =	vst v63  }
0x2d: {  	v3 =	vld [tilespmem:$0x10];
	_ =	sdelay $0x4  }
0x2e: {  	v57 =	vshrl.u32 v3, $0x3  }
0x2f: {  	v4 =	vmul.u32 $0x30, v57  }
0x30: {  	v3 =	vand.u32 $0x7, v3  }
0x31: {  	v3 =	vor.u32 v3, v4  }
0x32: {  	v4 =	vperm.xlane v3, v0;
	_ =	sdelay $0x1  }
0x33: {  	v4 =	vadd.s32 v1, v4;
	_ =	sdelay $0x3  }
0x34: {  	v3 =	vperm.xlane v3, v2  }
0x35: {  	[hbm4b:s3+s2] =	stream.indirect_vreg.scatter [tilespmem:s20], [sflag:$0x1], $0x80, v4, vm0, $0xb8;
	[tilespmem:$0x6080] =	vst v63  }
0x36: {  	v3 =	vadd.s32 v1, v3  }
0x37: {  	[hbm4b:s6+s2] =	stream.indirect_vreg.scatter [tilespmem:s21], [sflag:$0x1], $0x80, v4, vm0, $0xb8;
	[tilespmem:$0x6080] =	vst v63  }
0x38: {  	_ = 	snop  }
0x39: {  	[hbm4b:s7+s2] =	stream.indirect_vreg.scatter [tilespmem:s22], [sflag:$0x1], $0x80, v4, vm0, $0xb8;
	[tilespmem:$0x6080] =	vst v63  }
0x3a: {  	_ = 	snop  }
0x3b: {  	[hbm4b:s3+s2] =	stream.indirect_vreg.scatter [tilespmem:s23], [sflag:$0x1], $0x80, v3, vm0, $0xb8;
	[tilespmem:$0x6080] =	vst v63  }
0x3c: {  	_ = 	snop  }
0x3d: {  	[hbm4b:s6+s2] =	stream.indirect_vreg.scatter [tilespmem:s24], [sflag:$0x1], $0x80, v3, vm0, $0xb8;
	[tilespmem:$0x6080] =	vst v63  }
0x3e: {  	_ = 	snop  }
0x3f: {  	[hbm4b:s7+s2] =	stream.indirect_vreg.scatter [tilespmem:s25], [sflag:$0x1], $0x80, v3, vm0, $0xb8;
	[tilespmem:$0x6080] =	vst v63  }
0x40: {  	_ =	swait.ge [sflag:s26], $0x6000  }
0x41: {  	[sflag:s26] =	ssyncset.done $0x0  }
0x42: {  	[sflag:s26] =	ssyncadd.s32 $0xFFFFA000  }
0x43: {  	[tilespmem:s2], [sflag:$0x2] =	stream.linear.gather [hbm4b:s8+s2], $0x80, $0x38;
	[tilespmem:$0x6080] =	vst v63  }
0x44: {  	_ =	swait.ge [sflag:s14], $0x80  }
0x45: {  	[sflag:s14] =	ssyncset.done $0x0  }
0x46: {  	[sflag:s14] =	ssyncadd.s32 $0xFFFFFF80  }
0x47: {  	v3 =	vld [tilespmem:$0x0];
	_ =	sdelay $0x4  }
0x48: {  	v58 =	vshrl.u32 v3, $0x3  }
0x49: {  	v4 =	vmul.u32 $0x30, v58  }
0x4a: {  	v3 =	vand.u32 $0x7, v3  }
0x4b: {  	v3 =	vor.u32 v3, v4  }
0x4c: {  	v4 =	vperm.xlane v3, v0;
	_ =	sdelay $0x1  }
0x4d: {  	v4 =	vadd.s32 v1, v4;
	_ =	sdelay $0x3  }
0x4e: {  	v3 =	vperm.xlane v3, v2  }
0x4f: {  	[hbm4b:s3+s2] =	stream.indirect_vreg.scatter [tilespmem:s13], [sflag:$0x1], $0x80, v4, vm0, $0xb8;
	[tilespmem:$0x6080] =	vst v63  }
0x50: {  	v3 =	vadd.s32 v1, v3  }
0x51: {  	[hbm4b:s6+s2] =	stream.indirect_vreg.scatter [tilespmem:s15], [sflag:$0x1], $0x80, v4, vm0, $0xb8;
	[tilespmem:$0x6080] =	vst v63  }
0x52: {  	_ = 	snop  }
0x53: {  	[hbm4b:s7+s2] =	stream.indirect_vreg.scatter [tilespmem:s16], [sflag:$0x1], $0x80, v4, vm0, $0xb8;
	[tilespmem:$0x6080] =	vst v63  }
0x54: {  	_ = 	snop  }
0x55: {  	[hbm4b:s3+s2] =	stream.indirect_vreg.scatter [tilespmem:s17], [sflag:$0x1], $0x80, v3, vm0, $0xb8;
	[tilespmem:$0x6080] =	vst v63  }
0x56: {  	_ = 	snop  }
0x57: {  	[hbm4b:s6+s2] =	stream.indirect_vreg.scatter [tilespmem:s18], [sflag:$0x1], $0x80, v3, vm0, $0xb8;
	[tilespmem:$0x6080] =	vst v63  }
0x58: {  	_ = 	snop  }
0x59: {  	[hbm4b:s7+s2] =	stream.indirect_vreg.scatter [tilespmem:s19], [sflag:$0x1], $0x80, v3, vm0, $0xb8;
	[tilespmem:$0x6080] =	vst v63  }
0x5a: {  	v3 =	vld [tilespmem:$0x10];
	_ =	sdelay $0x4  }
0x5b: {  	v59 =	vshrl.u32 v3, $0x3  }
0x5c: {  	v4 =	vmul.u32 $0x30, v59  }
0x5d: {  	v3 =	vand.u32 $0x7, v3  }
0x5e: {  	v3 =	vor.u32 v3, v4  }
0x5f: {  	v4 =	vperm.xlane v3, v0;
	_ =	sdelay $0x1  }
0x60: {  	v4 =	vadd.s32 v1, v4;
	_ =	sdelay $0x3  }
0x61: {  	v3 =	vperm.xlane v3, v2  }
0x62: {  	[hbm4b:s3+s2] =	stream.indirect_vreg.scatter [tilespmem:s20], [sflag:$0x1], $0x80, v4, vm0, $0xb8;
	[tilespmem:$0x6080] =	vst v63  }
0x63: {  	v3 =	vadd.s32 v1, v3  }
0x64: {  	[hbm4b:s6+s2] =	stream.indirect_vreg.scatter [tilespmem:s21], [sflag:$0x1], $0x80, v4, vm0, $0xb8;
	[tilespmem:$0x6080] =	vst v63  }
0x65: {  	_ = 	snop  }
0x66: {  	[hbm4b:s7+s2] =	stream.indirect_vreg.scatter [tilespmem:s22], [sflag:$0x1], $0x80, v4, vm0, $0xb8;
	[tilespmem:$0x6080] =	vst v63  }
0x67: {  	_ = 	snop  }
0x68: {  	[hbm4b:s3+s2] =	stream.indirect_vreg.scatter [tilespmem:s23], [sflag:$0x1], $0x80, v3, vm0, $0xb8;
	[tilespmem:$0x6080] =	vst v63  }
0x69: {  	_ = 	snop  }
0x6a: {  	[hbm4b:s6+s2] =	stream.indirect_vreg.scatter [tilespmem:s24], [sflag:$0x1], $0x80, v3, vm0, $0xb8;
	[tilespmem:$0x6080] =	vst v63  }
0x6b: {  	_ = 	snop  }
0x6c: {  	[hbm4b:s7+s2] =	stream.indirect_vreg.scatter [tilespmem:s25], [sflag:$0x1], $0x80, v3, vm0, $0xb8;
	[tilespmem:$0x6080] =	vst v63  }
0x6d: {  	_ =	swait.ge [sflag:s26], $0x6000  }
0x6e: {  	[sflag:s26] =	ssyncset.done $0x0  }
0x6f: {  	[sflag:s26] =	ssyncadd.s32 $0xFFFFA000  }
0x70: {  	[tilespmem:s13], [sflag:$0x2] =	stream.linear.gather [hbm4b:s9+s2], $0x6000, $0x38;
	[tilespmem:$0x6080] =	vst v63  }
0x71: {  	_ =	swait.ge [sflag:s14], $0x6000  }
0x72: {  	[sflag:s14] =	ssyncset.done $0x0  }
0x73: {  	[sflag:s14] =	ssyncadd.s32 $0xFFFFA000  }
0x74: {  	[tilespmem:s2], [sflag:$0x2] =	stream.linear.gather [hbm4b:s10+s2], $0x80, $0x38;
	[tilespmem:$0x6080] =	vst v63  }
0x75: {  	_ =	swait.ge [sflag:s14], $0x80  }
0x76: {  	[sflag:s14] =	ssyncset.done $0x0  }
0x77: {  	[sflag:s14] =	ssyncadd.s32 $0xFFFFFF80  }
0x78: {  	v3 =	vld [tilespmem:$0x0];
	_ =	sdelay $0x4  }
0x79: {  	v60 =	vshrl.u32 v3, $0x3  }
0x7a: {  	v4 =	vmul.u32 $0x30, v60  }
0x7b: {  	v3 =	vand.u32 $0x7, v3  }
0x7c: {  	v3 =	vor.u32 v3, v4  }
0x7d: {  	v4 =	vperm.xlane v3, v0;
	_ =	sdelay $0x1  }
0x7e: {  	v4 =	vadd.s32 v1, v4;
	_ =	sdelay $0x3  }
0x7f: {  	v3 =	vperm.xlane v3, v2  }
0x80: {  	[hbm4b:s3+s2] =	stream.indirect_vreg.scatter [tilespmem:s13], [sflag:$0x1], $0x80, v4, vm0, $0xb8;
	[tilespmem:$0x6080] =	vst v63  }
0x81: {  	v3 =	vadd.s32 v1, v3  }
0x82: {  	[hbm4b:s6+s2] =	stream.indirect_vreg.scatter [tilespmem:s15], [sflag:$0x1], $0x80, v4, vm0, $0xb8;
	[tilespmem:$0x6080] =	vst v63  }
0x83: {  	_ = 	snop  }
0x84: {  	[hbm4b:s7+s2] =	stream.indirect_vreg.scatter [tilespmem:s16], [sflag:$0x1], $0x80, v4, vm0, $0xb8;
	[tilespmem:$0x6080] =	vst v63  }
0x85: {  	_ = 	snop  }
0x86: {  	[hbm4b:s3+s2] =	stream.indirect_vreg.scatter [tilespmem:s17], [sflag:$0x1], $0x80, v3, vm0, $0xb8;
	[tilespmem:$0x6080] =	vst v63  }
0x87: {  	_ = 	snop  }
0x88: {  	[hbm4b:s6+s2] =	stream.indirect_vreg.scatter [tilespmem:s18], [sflag:$0x1], $0x80, v3, vm0, $0xb8;
	[tilespmem:$0x6080] =	vst v63  }
0x89: {  	_ = 	snop  }
0x8a: {  	[hbm4b:s7+s2] =	stream.indirect_vreg.scatter [tilespmem:s19], [sflag:$0x1], $0x80, v3, vm0, $0xb8;
	[tilespmem:$0x6080] =	vst v63  }
0x8b: {  	v3 =	vld [tilespmem:$0x10];
	_ =	sdelay $0x4  }
0x8c: {  	v61 =	vshrl.u32 v3, $0x3  }
0x8d: {  	v4 =	vmul.u32 $0x30, v61  }
0x8e: {  	v3 =	vand.u32 $0x7, v3  }
0x8f: {  	v3 =	vor.u32 v3, v4  }
0x90: {  	v4 =	vperm.xlane v3, v0;
	_ =	sdelay $0x1  }
0x91: {  	v4 =	vadd.s32 v1, v4;
	_ =	sdelay $0x3  }
0x92: {  	v3 =	vperm.xlane v3, v2  }
0x93: {  	[hbm4b:s3+s2] =	stream.indirect_vreg.scatter [tilespmem:s20], [sflag:$0x1], $0x80, v4, vm0, $0xb8;
	[tilespmem:$0x6080] =	vst v63  }
0x94: {  	v3 =	vadd.s32 v1, v3  }
0x95: {  	[hbm4b:s6+s2] =	stream.indirect_vreg.scatter [tilespmem:s21], [sflag:$0x1], $0x80, v4, vm0, $0xb8;
	[tilespmem:$0x6080] =	vst v63  }
0x96: {  	_ = 	snop  }
0x97: {  	[hbm4b:s7+s2] =	stream.indirect_vreg.scatter [tilespmem:s22], [sflag:$0x1], $0x80, v4, vm0, $0xb8;
	[tilespmem:$0x6080] =	vst v63  }
0x98: {  	_ = 	snop  }
0x99: {  	[hbm4b:s3+s2] =	stream.indirect_vreg.scatter [tilespmem:s23], [sflag:$0x1], $0x80, v3, vm0, $0xb8;
	[tilespmem:$0x6080] =	vst v63  }
0x9a: {  	_ = 	snop  }
0x9b: {  	[hbm4b:s6+s2] =	stream.indirect_vreg.scatter [tilespmem:s24], [sflag:$0x1], $0x80, v3, vm0, $0xb8;
	[tilespmem:$0x6080] =	vst v63  }
0x9c: {  	_ = 	snop  }
0x9d: {  	[hbm4b:s7+s2] =	stream.indirect_vreg.scatter [tilespmem:s25], [sflag:$0x1], $0x80, v3, vm0, $0xb8;
	[tilespmem:$0x6080] =	vst v63  }
0x9e: {  	_ =	swait.ge [sflag:s26], $0x6000  }
0x9f: {  	[sflag:s26] =	ssyncset.done $0x0  }
0xa0: {  	[sflag:s26] =	ssyncadd.s32 $0xFFFFA000  }
0xa1: {  	[tilespmem:s2], [sflag:$0x2] =	stream.linear.gather [hbm4b:s11+s2], $0x80, $0x38;
	[tilespmem:$0x6080] =	vst v63  }
0xa2: {  	_ =	swait.ge [sflag:s14], $0x80  }
0xa3: {  	[sflag:s14] =	ssyncset.done $0x0  }
0xa4: {  	[sflag:s14] =	ssyncadd.s32 $0xFFFFFF80  }
0xa5: {  	v3 =	vld [tilespmem:$0x0];
	_ =	sdelay $0x4  }
0xa6: {  	v62 =	vshrl.u32 v3, $0x3  }
0xa7: {  	v4 =	vmul.u32 $0x30, v62  }
0xa8: {  	v3 =	vand.u32 $0x7, v3  }
0xa9: {  	v3 =	vor.u32 v3, v4  }
0xaa: {  	v4 =	vperm.xlane v3, v0;
	_ =	sdelay $0x1  }
0xab: {  	v4 =	vadd.s32 v1, v4;
	_ =	sdelay $0x3  }
0xac: {  	v3 =	vperm.xlane v3, v2  }
0xad: {  	[hbm4b:s3+s2] =	stream.indirect_vreg.scatter [tilespmem:s13], [sflag:$0x1], $0x80, v4, vm0, $0xb8;
	[tilespmem:$0x6080] =	vst v63  }
0xae: {  	v3 =	vadd.s32 v1, v3  }
0xaf: {  	[hbm4b:s6+s2] =	stream.indirect_vreg.scatter [tilespmem:s15], [sflag:$0x1], $0x80, v4, vm0, $0xb8;
	[tilespmem:$0x6080] =	vst v63  }
0xb0: {  	_ = 	snop  }
0xb1: {  	[hbm4b:s7+s2] =	stream.indirect_vreg.scatter [tilespmem:s16], [sflag:$0x1], $0x80, v4, vm0, $0xb8;
	[tilespmem:$0x6080] =	vst v63  }
0xb2: {  	_ = 	snop  }
0xb3: {  	[hbm4b:s3+s2] =	stream.indirect_vreg.scatter [tilespmem:s17], [sflag:$0x1], $0x80, v3, vm0, $0xb8;
	[tilespmem:$0x6080] =	vst v63  }
0xb4: {  	_ = 	snop  }
0xb5: {  	[hbm4b:s6+s2] =	stream.indirect_vreg.scatter [tilespmem:s18], [sflag:$0x1], $0x80, v3, vm0, $0xb8;
	[tilespmem:$0x6080] =	vst v63  }
0xb6: {  	_ = 	snop  }
0xb7: {  	[hbm4b:s7+s2] =	stream.indirect_vreg.scatter [tilespmem:s19], [sflag:$0x1], $0x80, v3, vm0, $0xb8;
	[tilespmem:$0x6080] =	vst v63  }
0xb8: {  	v3 =	vld [tilespmem:$0x10];
	_ =	sdelay $0x4  }
0xb9: {  	v63 =	vshrl.u32 v3, $0x3  }
0xba: {  	v4 =	vmul.u32 $0x30, v63  }
0xbb: {  	v3 =	vand.u32 $0x7, v3  }
0xbc: {  	v3 =	vor.u32 v3, v4  }
0xbd: {  	v4 =	vperm.xlane v3, v0;
	_ =	sdelay $0x1  }
0xbe: {  	v4 =	vadd.s32 v1, v4;
	_ =	sdelay $0x3  }
0xbf: {  	v3 =	vperm.xlane v3, v2  }
0xc0: {  	[hbm4b:s3+s2] =	stream.indirect_vreg.scatter [tilespmem:s20], [sflag:$0x1], $0x80, v4, vm0, $0xb8;
	[tilespmem:$0x6080] =	vst v63  }
0xc1: {  	v3 =	vadd.s32 v1, v3  }
0xc2: {  	[hbm4b:s6+s2] =	stream.indirect_vreg.scatter [tilespmem:s21], [sflag:$0x1], $0x80, v4, vm0, $0xb8;
	[tilespmem:$0x6080] =	vst v63  }
0xc3: {  	_ = 	snop  }
0xc4: {  	[hbm4b:s7+s2] =	stream.indirect_vreg.scatter [tilespmem:s22], [sflag:$0x1], $0x80, v4, vm0, $0xb8;
	[tilespmem:$0x6080] =	vst v63  }
0xc5: {  	_ = 	snop  }
0xc6: {  	[hbm4b:s3+s2] =	stream.indirect_vreg.scatter [tilespmem:s23], [sflag:$0x1], $0x80, v3, vm0, $0xb8;
	[tilespmem:$0x6080] =	vst v63  }
0xc7: {  	p0 =	sne.s32 s12, $0x1  }
0xc8: {  	[hbm4b:s6+s2] =	stream.indirect_vreg.scatter [tilespmem:s24], [sflag:$0x1], $0x80, v3, vm0, $0xb8;
	[tilespmem:$0x6080] =	vst v63  }
.Ltmp0:
0xc9: {  	_ = 	snop;
	(pc) =	sbr.rel @p0 .LBB2_1-.Ltmp0, $4  }
0xca: {  	[hbm4b:s7+s2] =	stream.indirect_vreg.scatter [tilespmem:s25], [sflag:$0x1], $0x80, v3, vm0, $0xb8;
	[tilespmem:$0x6080] =	vst v63  }
0xcb: {  	_ =	swait.ge [sflag:s26], $0x6000  }
0xcc: {  	[sflag:s26] =	ssyncset.done $0x0  }
0xcd: {  	s12 =	sadd.s32 $0xFFFFFFFF, s12;
	[sflag:s26] =	ssyncadd.s32 $0xFFFFA000  }
0xce: {  	_ =	sfence.sel $0x180000  }
0xcf: {  	[bflag:$0x0] =	sbarrier.arrive $0xFFFF  }
0xd0: {  	p0 =	sne.s32 s1, $0x0;
	_ =	strace $0x90000047  }
0xd1: {  	s0 =	sadd.s32 @!p0 $0x100000, s0;
	[bflag:$0x2] =	sbarrier.arrive $0xFFFF  }
0xd2: {  	[sflag:s0] =	ssyncadd.tile.s32 @!p0 $0x1;
	_ =	shalt  }
.Lfunc_end2:
_tile_overlayer_lowered:
.L_overlay_start_2:
0xd3: {  	(tag) =	ssettag $0x2  }
0xd4: {  	s0 =	rddreg [dreg:$0x0];
	s2 =	stileid.u32  }
0xd5: {  	s1 =	rddreg [dreg:$0x1];
	p0 =	sne.s32 s2, $0x0  }
0xd6: {  	s3 =	rddreg [dreg:$0x2];
	[bflag:$0x3] =	sbarrier.arrive $0xFFFF;
	s2 =	simm.s32 @!p0 $0x1C02  }
0xd7: {  	[timem:s3], [sflag:s2] =	dma.local @!p0 [hbm:s0], s1  }
0xd8: {  	s0 =	simm.s32 @!p0 $0x2  }
0xd9: {  	_ =	swait.ge @!p0 [sflag:s0], s1  }
0xda: {  	s1 =	ssub.s32 @!p0 $0x0, s1;
	[sflag:s0] =	ssyncset.done @!p0 $0x0  }
0xdb: {  	[sflag:s0] =	ssyncadd.s32 @!p0 s1  }
0xdc: {  	[bflag:$0x3] =	sbarrier.arrive $0xFFFF  }
0xdd: {  	_ =	shalt  }

</sc_bundles>
